<compile_context>
chip_gen: v7x
topology: tpu7x:2x2x1
jax: 0.10.2.dev20260603
libtpu: 0.0.44.dev20260713+nightly
codegen_flags: <defaults>
</compile_context>

<pallas_src>
import functools

import jax
import jax.numpy as jnp
from jax import lax
from jax.experimental import pallas as pl
from jax.experimental.pallas import tpu as pltpu
from jax.experimental.pallas import tpu_sc as plsc

NUM_ITEM = 1000000
HIDDEN = 64
BATCH = 16384
HIST = 20

_L = 16
_NC = 2
_NS = 16
_NW = _NC * _NS
_B = BATCH * HIST
_BPW = _B // _NW
_CH = 128
_NCHUNK = _BPW // _CH


def _soft_threshold_chunk(e_v, s_v):

    def row_body(r, carry):
        for j in range(HIDDEN // _L):
            sl = pl.ds(j * _L, _L)
            v = e_v[r, sl]
            t = s_v[r, sl]
            sig = 1.0 / (1.0 + jnp.exp(-t))
            e_v[r, sl] = v - jnp.minimum(jnp.maximum(v, -sig), sig)
        return carry

    lax.fori_loop(0, _CH, row_body, 0, unroll=False)


@functools.partial(
    pl.kernel,
    out_type=jax.ShapeDtypeStruct((_B, HIDDEN), jnp.float32),
    mesh=plsc.VectorSubcoreMesh(core_axis_name="c", subcore_axis_name="s"),
    compiler_params=pltpu.CompilerParams(use_tc_tiling_on_sc=False),
    scratch_types=(
        [pltpu.VMEM((_CH,), jnp.int32)] * 4
        + [pltpu.VMEM((_CH, HIDDEN), jnp.float32)] * 8
        + [pltpu.SemaphoreType.DMA] * 9
    ),
)
def _sc_lookup(idx_hbm, emb_hbm, s_hbm, out_hbm,
               idx0, idx1, idx2, idx3, e0, e1, e2, e3, s0, s1, s2, s3,
               sem_i, sem_e0, sem_e1, sem_e2, sem_e3,
               sem_s0, sem_s1, sem_s2, sem_s3):
    wid = lax.axis_index("s") * _NC + lax.axis_index("c")
    base = wid * _BPW
    idx_b = (idx0, idx1, idx2, idx3)
    e_b = (e0, e1, e2, e3)
    s_b = (s0, s1, s2, s3)
    sem_e = (sem_e0, sem_e1, sem_e2, sem_e3)
    sem_s = (sem_s0, sem_s1, sem_s2, sem_s3)

    pltpu.sync_copy(idx_hbm.at[pl.ds(base, _CH)], idx0)
    pltpu.async_copy(emb_hbm.at[idx0], e0, sem_e0)
    pltpu.async_copy(s_hbm.at[idx0], s0, sem_s0)
    for b in range(1, 4):
        pltpu.async_copy(idx_hbm.at[pl.ds(base + b * _CH, _CH)], idx_b[b],
                         sem_e[b]).wait()
        pltpu.async_copy(emb_hbm.at[idx_b[b]], e_b[b], sem_e[b])
        pltpu.async_copy(s_hbm.at[idx_b[b]], s_b[b], sem_s[b])

    def quad_body(g, carry):
        for b in range(4):
            c = g * 4 + b
            pltpu.make_async_copy(emb_hbm.at[idx_b[b]], e_b[b], sem_e[b]).wait()
            pltpu.make_async_copy(s_hbm.at[idx_b[b]], s_b[b], sem_s[b]).wait()
            _soft_threshold_chunk(e_b[b], s_b[b])
            pltpu.sync_copy(e_b[b], out_hbm.at[pl.ds(base + c * _CH, _CH)])
            @pl.when(c + 4 < _NCHUNK)
            def _():
                off_n = base + (c + 4) * _CH
                pltpu.async_copy(idx_hbm.at[pl.ds(off_n, _CH)], idx_b[b],
                                 sem_e[b]).wait()
                pltpu.async_copy(emb_hbm.at[idx_b[b]], e_b[b], sem_e[b])
                pltpu.async_copy(s_hbm.at[idx_b[b]], s_b[b], sem_s[b])
        return carry

    lax.fori_loop(0, _NCHUNK // 4, quad_body, 0, unroll=False)


def kernel(x, emb_weight, s):
    idx = x.T.reshape(-1).astype(jnp.int32)
    out = _sc_lookup(idx, emb_weight, s)
    return out.reshape(HIST, BATCH, HIDDEN).transpose(1, 0, 2)

# --- scband reference (transcript-rebuilt; emitter-appended) ---
"""Pipeline reference for scband-pep-embeeding-42700564857378 (READ-ONLY COPY).

The authoritative reference and input builder live on the scoring server;
editing this copy changes nothing except your own understanding.
"""

import jax, jax.numpy as jnp
import numpy as np

NUM_ITEM = 1000000
HIDDEN = 64
BATCH = 16384
HIST = 20
INIT_THRESHOLD = -150.0


def setup_inputs(seed: int = 0) -> dict:
    key = jax.random.key(seed)
    k1, k2 = jax.random.split(key)
    # xavier uniform init for embedding table
    limit = float(np.sqrt(6.0 / (NUM_ITEM + HIDDEN)))
    emb_weight = jax.random.uniform(k1, (NUM_ITEM, HIDDEN), dtype=jnp.float32, minval=-limit, maxval=limit)
    # threshold parameter s, threshold_type='feature_dim' -> shape [num_item, hidden]
    s = INIT_THRESHOLD * jnp.ones((NUM_ITEM, HIDDEN), dtype=jnp.float32)
    x = jax.random.randint(k2, (BATCH, HIST), 0, NUM_ITEM, dtype=jnp.int64)
    return {"x": x, "emb_weight": emb_weight, "s": s}


def soft_threshold(v, s):
    return jnp.sign(v) * jax.nn.relu(jnp.abs(v) - jax.nn.sigmoid(s))


def reference(x, emb_weight, s):
    sparse_weight = soft_threshold(emb_weight, s)
    xv = jnp.take(sparse_weight, x, axis=0)
    return xv

if __name__ == "__main__":
    import jax
    _d = setup_inputs()
    print(jax.jit(kernel)(*tuple(_d.values())))

</pallas_src>

<mosaic_0001>
#map = affine_map<(d0, d1) -> (0)>
#map1 = affine_map<(d0, d1) -> (0, 0)>
module attributes {stable_mosaic.version = 14 : i64} {
  func.func @_sc_lookup(%arg0: i32, %arg1: i32, %arg2: memref<327680xi32, #tpu.memory_space<hbm>>, %arg3: memref<1000000x64xf32, #tpu.memory_space<hbm>>, %arg4: memref<1000000x64xf32, #tpu.memory_space<hbm>>, %arg5: memref<327680x64xf32, #tpu.memory_space<hbm>>, %arg6: memref<128xi32, #tpu.memory_space<vmem>>, %arg7: memref<128xi32, #tpu.memory_space<vmem>>, %arg8: memref<128xi32, #tpu.memory_space<vmem>>, %arg9: memref<128xi32, #tpu.memory_space<vmem>>, %arg10: memref<128x64xf32, #tpu.memory_space<vmem>>, %arg11: memref<128x64xf32, #tpu.memory_space<vmem>>, %arg12: memref<128x64xf32, #tpu.memory_space<vmem>>, %arg13: memref<128x64xf32, #tpu.memory_space<vmem>>, %arg14: memref<128x64xf32, #tpu.memory_space<vmem>>, %arg15: memref<128x64xf32, #tpu.memory_space<vmem>>, %arg16: memref<128x64xf32, #tpu.memory_space<vmem>>, %arg17: memref<128x64xf32, #tpu.memory_space<vmem>>, %arg18: memref<!tpu.dma_semaphore, #tpu.memory_space<semaphore_mem>>, %arg19: memref<!tpu.dma_semaphore, #tpu.memory_space<semaphore_mem>>, %arg20: memref<!tpu.dma_semaphore, #tpu.memory_space<semaphore_mem>>, %arg21: memref<!tpu.dma_semaphore, #tpu.memory_space<semaphore_mem>>, %arg22: memref<!tpu.dma_semaphore, #tpu.memory_space<semaphore_mem>>, %arg23: memref<!tpu.dma_semaphore, #tpu.memory_space<semaphore_mem>>, %arg24: memref<!tpu.dma_semaphore, #tpu.memory_space<semaphore_mem>>, %arg25: memref<!tpu.dma_semaphore, #tpu.memory_space<semaphore_mem>>, %arg26: memref<!tpu.dma_semaphore, #tpu.memory_space<semaphore_mem>>) attributes {dimension_semantics = [#tpu.dimension_semantics<core_parallel>, #tpu.dimension_semantics<subcore_parallel>], iteration_bounds = array<i64: 2, 16>, scalar_prefetch = 0 : i64, scratch_operands = 21 : i64, tpu.core_type = #tpu.core_type<sc_vector_subcore>, window_params = [{transform_indices = #map}, {transform_indices = #map1}, {transform_indices = #map1}, {transform_indices = #map1}]} {
    %mul3A = arith.constant 2 : i32
    %mul3A_0 = arith.muli %arg1, %mul3A : i32
    %add3A = arith.addi %mul3A_0, %arg0 : i32
    %mul3A_1 = arith.constant 10240 : i32
    %mul3A_2 = arith.muli %add3A, %mul3A_1 : i32
    "tpu.region"() ({
      %run_scoped3A = tpu.sem_alloc : memref<!tpu.dma_semaphore, #tpu.memory_space<semaphore_mem>>
      %dma_start3A_48 = tpu.memref_slice %arg2[%mul3A_2] : memref<327680xi32, #tpu.memory_space<hbm>> -> memref<128xi32, #tpu.memory_space<hbm>>
      %dma_start3A_49 = tpu.memref_slice %arg2[%mul3A_2] : memref<327680xi32, #tpu.memory_space<hbm>> -> memref<128xi32, #tpu.memory_space<hbm>>
      tpu.enqueue_dma source(%dma_start3A_49 : memref<128xi32, #tpu.memory_space<hbm>>) target(%arg6 : memref<128xi32, #tpu.memory_space<vmem>>) target_semaphore(%run_scoped3A : memref<!tpu.dma_semaphore, #tpu.memory_space<semaphore_mem>>)
      %dma_wait3A_50 = tpu.memref_slice %arg2[%mul3A_2] : memref<327680xi32, #tpu.memory_space<hbm>> -> memref<128xi32, #tpu.memory_space<hbm>>
      %dma_wait3A_51 = tpu.memref_slice %arg2[%mul3A_2] : memref<327680xi32, #tpu.memory_space<hbm>> -> memref<128xi32, #tpu.memory_space<hbm>>
      tpu.wait_dma2 semaphore(%run_scoped3A : memref<!tpu.dma_semaphore, #tpu.memory_space<semaphore_mem>>) src(%dma_wait3A_51 : memref<128xi32, #tpu.memory_space<hbm>>) dst(%arg6 : memref<128xi32, #tpu.memory_space<vmem>>)
      tpu.yield
    }) : () -> ()
    %dma_start3A = arith.constant 0 : i32
    %dma_start3A_3 = arith.constant 0 : i32
    %dma_start3A_4 = tpu.memref_slice %arg3[%dma_start3A, %dma_start3A_3] : memref<1000000x64xf32, #tpu.memory_space<hbm>> -> memref<1000000x64xf32, #tpu.memory_space<hbm>>
    tpu.enqueue_indirect_dma source(%dma_start3A_4 : memref<1000000x64xf32, #tpu.memory_space<hbm>>) target(%arg10 : memref<128x64xf32, #tpu.memory_space<vmem>>) offsets(%arg6 : memref<128xi32, #tpu.memory_space<vmem>>) semaphore(%arg19 : memref<!tpu.dma_semaphore, #tpu.memory_space<semaphore_mem>>)
    %dma_start3A_5 = arith.constant 0 : i32
    %dma_start3A_6 = arith.constant 0 : i32
    %dma_start3A_7 = tpu.memref_slice %arg4[%dma_start3A_5, %dma_start3A_6] : memref<1000000x64xf32, #tpu.memory_space<hbm>> -> memref<1000000x64xf32, #tpu.memory_space<hbm>>
    tpu.enqueue_indirect_dma source(%dma_start3A_7 : memref<1000000x64xf32, #tpu.memory_space<hbm>>) target(%arg14 : memref<128x64xf32, #tpu.memory_space<vmem>>) offsets(%arg6 : memref<128xi32, #tpu.memory_space<vmem>>) semaphore(%arg23 : memref<!tpu.dma_semaphore, #tpu.memory_space<semaphore_mem>>)
    %add3A_8 = arith.constant 128 : i32
    %add3A_9 = arith.addi %mul3A_2, %add3A_8 : i32
    %dma_start3A_10 = tpu.memref_slice %arg2[%add3A_9] : memref<327680xi32, #tpu.memory_space<hbm>> -> memref<128xi32, #tpu.memory_space<hbm>>
    %dma_start3A_11 = tpu.memref_slice %arg2[%add3A_9] : memref<327680xi32, #tpu.memory_space<hbm>> -> memref<128xi32, #tpu.memory_space<hbm>>
    tpu.enqueue_dma source(%dma_start3A_11 : memref<128xi32, #tpu.memory_space<hbm>>) target(%arg7 : memref<128xi32, #tpu.memory_space<vmem>>) target_semaphore(%arg20 : memref<!tpu.dma_semaphore, #tpu.memory_space<semaphore_mem>>)
    %dma_wait3A = tpu.memref_slice %arg2[%add3A_9] : memref<327680xi32, #tpu.memory_space<hbm>> -> memref<128xi32, #tpu.memory_space<hbm>>
    %dma_wait3A_12 = tpu.memref_slice %arg2[%add3A_9] : memref<327680xi32, #tpu.memory_space<hbm>> -> memref<128xi32, #tpu.memory_space<hbm>>
    tpu.wait_dma2 semaphore(%arg20 : memref<!tpu.dma_semaphore, #tpu.memory_space<semaphore_mem>>) src(%dma_wait3A_12 : memref<128xi32, #tpu.memory_space<hbm>>) dst(%arg7 : memref<128xi32, #tpu.memory_space<vmem>>)
    %dma_start3A_13 = arith.constant 0 : i32
    %dma_start3A_14 = arith.constant 0 : i32
    %dma_start3A_15 = tpu.memref_slice %arg3[%dma_start3A_13, %dma_start3A_14] : memref<1000000x64xf32, #tpu.memory_space<hbm>> -> memref<1000000x64xf32, #tpu.memory_space<hbm>>
    tpu.enqueue_indirect_dma source(%dma_start3A_15 : memref<1000000x64xf32, #tpu.memory_space<hbm>>) target(%arg11 : memref<128x64xf32, #tpu.memory_space<vmem>>) offsets(%arg7 : memref<128xi32, #tpu.memory_space<vmem>>) semaphore(%arg20 : memref<!tpu.dma_semaphore, #tpu.memory_space<semaphore_mem>>)
    %dma_start3A_16 = arith.constant 0 : i32
    %dma_start3A_17 = arith.constant 0 : i32
    %dma_start3A_18 = tpu.memref_slice %arg4[%dma_start3A_16, %dma_start3A_17] : memref<1000000x64xf32, #tpu.memory_space<hbm>> -> memref<1000000x64xf32, #tpu.memory_space<hbm>>
    tpu.enqueue_indirect_dma source(%dma_start3A_18 : memref<1000000x64xf32, #tpu.memory_space<hbm>>) target(%arg15 : memref<128x64xf32, #tpu.memory_space<vmem>>) offsets(%arg7 : memref<128xi32, #tpu.memory_space<vmem>>) semaphore(%arg24 : memref<!tpu.dma_semaphore, #tpu.memory_space<semaphore_mem>>)
    %add3A_19 = arith.constant 256 : i32
    %add3A_20 = arith.addi %mul3A_2, %add3A_19 : i32
    %dma_start3A_21 = tpu.memref_slice %arg2[%add3A_20] : memref<327680xi32, #tpu.memory_space<hbm>> -> memref<128xi32, #tpu.memory_space<hbm>>
    %dma_start3A_22 = tpu.memref_slice %arg2[%add3A_20] : memref<327680xi32, #tpu.memory_space<hbm>> -> memref<128xi32, #tpu.memory_space<hbm>>
    tpu.enqueue_dma source(%dma_start3A_22 : memref<128xi32, #tpu.memory_space<hbm>>) target(%arg8 : memref<128xi32, #tpu.memory_space<vmem>>) target_semaphore(%arg21 : memref<!tpu.dma_semaphore, #tpu.memory_space<semaphore_mem>>)
    %dma_wait3A_23 = tpu.memref_slice %arg2[%add3A_20] : memref<327680xi32, #tpu.memory_space<hbm>> -> memref<128xi32, #tpu.memory_space<hbm>>
    %dma_wait3A_24 = tpu.memref_slice %arg2[%add3A_20] : memref<327680xi32, #tpu.memory_space<hbm>> -> memref<128xi32, #tpu.memory_space<hbm>>
    tpu.wait_dma2 semaphore(%arg21 : memref<!tpu.dma_semaphore, #tpu.memory_space<semaphore_mem>>) src(%dma_wait3A_24 : memref<128xi32, #tpu.memory_space<hbm>>) dst(%arg8 : memref<128xi32, #tpu.memory_space<vmem>>)
    %dma_start3A_25 = arith.constant 0 : i32
    %dma_start3A_26 = arith.constant 0 : i32
    %dma_start3A_27 = tpu.memref_slice %arg3[%dma_start3A_25, %dma_start3A_26] : memref<1000000x64xf32, #tpu.memory_space<hbm>> -> memref<1000000x64xf32, #tpu.memory_space<hbm>>
    tpu.enqueue_indirect_dma source(%dma_start3A_27 : memref<1000000x64xf32, #tpu.memory_space<hbm>>) target(%arg12 : memref<128x64xf32, #tpu.memory_space<vmem>>) offsets(%arg8 : memref<128xi32, #tpu.memory_space<vmem>>) semaphore(%arg21 : memref<!tpu.dma_semaphore, #tpu.memory_space<semaphore_mem>>)
    %dma_start3A_28 = arith.constant 0 : i32
    %dma_start3A_29 = arith.constant 0 : i32
    %dma_start3A_30 = tpu.memref_slice %arg4[%dma_start3A_28, %dma_start3A_29] : memref<1000000x64xf32, #tpu.memory_space<hbm>> -> memref<1000000x64xf32, #tpu.memory_space<hbm>>
    tpu.enqueue_indirect_dma source(%dma_start3A_30 : memref<1000000x64xf32, #tpu.memory_space<hbm>>) target(%arg16 : memref<128x64xf32, #tpu.memory_space<vmem>>) offsets(%arg8 : memref<128xi32, #tpu.memory_space<vmem>>) semaphore(%arg25 : memref<!tpu.dma_semaphore, #tpu.memory_space<semaphore_mem>>)
    %add3A_31 = arith.constant 384 : i32
    %add3A_32 = arith.addi %mul3A_2, %add3A_31 : i32
    %dma_start3A_33 = tpu.memref_slice %arg2[%add3A_32] : memref<327680xi32, #tpu.memory_space<hbm>> -> memref<128xi32, #tpu.memory_space<hbm>>
    %dma_start3A_34 = tpu.memref_slice %arg2[%add3A_32] : memref<327680xi32, #tpu.memory_space<hbm>> -> memref<128xi32, #tpu.memory_space<hbm>>
    tpu.enqueue_dma source(%dma_start3A_34 : memref<128xi32, #tpu.memory_space<hbm>>) target(%arg9 : memref<128xi32, #tpu.memory_space<vmem>>) target_semaphore(%arg22 : memref<!tpu.dma_semaphore, #tpu.memory_space<semaphore_mem>>)
    %dma_wait3A_35 = tpu.memref_slice %arg2[%add3A_32] : memref<327680xi32, #tpu.memory_space<hbm>> -> memref<128xi32, #tpu.memory_space<hbm>>
    %dma_wait3A_36 = tpu.memref_slice %arg2[%add3A_32] : memref<327680xi32, #tpu.memory_space<hbm>> -> memref<128xi32, #tpu.memory_space<hbm>>
    tpu.wait_dma2 semaphore(%arg22 : memref<!tpu.dma_semaphore, #tpu.memory_space<semaphore_mem>>) src(%dma_wait3A_36 : memref<128xi32, #tpu.memory_space<hbm>>) dst(%arg9 : memref<128xi32, #tpu.memory_space<vmem>>)
    %dma_start3A_37 = arith.constant 0 : i32
    %dma_start3A_38 = arith.constant 0 : i32
    %dma_start3A_39 = tpu.memref_slice %arg3[%dma_start3A_37, %dma_start3A_38] : memref<1000000x64xf32, #tpu.memory_space<hbm>> -> memref<1000000x64xf32, #tpu.memory_space<hbm>>
    tpu.enqueue_indirect_dma source(%dma_start3A_39 : memref<1000000x64xf32, #tpu.memory_space<hbm>>) target(%arg13 : memref<128x64xf32, #tpu.memory_space<vmem>>) offsets(%arg9 : memref<128xi32, #tpu.memory_space<vmem>>) semaphore(%arg22 : memref<!tpu.dma_semaphore, #tpu.memory_space<semaphore_mem>>)
    %dma_start3A_40 = arith.constant 0 : i32
    %dma_start3A_41 = arith.constant 0 : i32
    %dma_start3A_42 = tpu.memref_slice %arg4[%dma_start3A_40, %dma_start3A_41] : memref<1000000x64xf32, #tpu.memory_space<hbm>> -> memref<1000000x64xf32, #tpu.memory_space<hbm>>
    tpu.enqueue_indirect_dma source(%dma_start3A_42 : memref<1000000x64xf32, #tpu.memory_space<hbm>>) target(%arg17 : memref<128x64xf32, #tpu.memory_space<vmem>>) offsets(%arg9 : memref<128xi32, #tpu.memory_space<vmem>>) semaphore(%arg26 : memref<!tpu.dma_semaphore, #tpu.memory_space<semaphore_mem>>)
    %scan3A = arith.constant 0 : i32
    %scan3A_43 = arith.constant 0 : i32
    %scan3A_44 = arith.constant 20 : i32
    %scan3A_45 = arith.addi %scan3A_43, %scan3A_44 : i32
    %scan3A_46 = arith.constant 1 : i32
    scf.for %scan3A_48 = %scan3A_43 to %scan3A_45 step %scan3A_46  : i32 {
      %mul3A_49 = arith.constant 4 : i32
      %mul3A_50 = arith.muli %scan3A_48, %mul3A_49 : i32
      %add3A_51 = arith.constant 0 : i32
      %add3A_52 = arith.addi %mul3A_50, %add3A_51 : i32
      %dma_wait3A_53 = arith.constant 0 : i32
      %dma_wait3A_54 = arith.constant 0 : i32
      %dma_wait3A_55 = tpu.memref_slice %arg3[%dma_wait3A_53, %dma_wait3A_54] : memref<1000000x64xf32, #tpu.memory_space<hbm>> -> memref<1000000x64xf32, #tpu.memory_space<hbm>>
      tpu.wait_indirect_dma semaphore(%arg19 : memref<!tpu.dma_semaphore, #tpu.memory_space<semaphore_mem>>) src(%dma_wait3A_55 : memref<1000000x64xf32, #tpu.memory_space<hbm>>) dst(%arg10 : memref<128x64xf32, #tpu.memory_space<vmem>>)
      %dma_wait3A_56 = arith.constant 0 : i32
      %dma_wait3A_57 = arith.constant 0 : i32
      %dma_wait3A_58 = tpu.memref_slice %arg4[%dma_wait3A_56, %dma_wait3A_57] : memref<1000000x64xf32, #tpu.memory_space<hbm>> -> memref<1000000x64xf32, #tpu.memory_space<hbm>>
      tpu.wait_indirect_dma semaphore(%arg23 : memref<!tpu.dma_semaphore, #tpu.memory_space<semaphore_mem>>) src(%dma_wait3A_58 : memref<1000000x64xf32, #tpu.memory_space<hbm>>) dst(%arg14 : memref<128x64xf32, #tpu.memory_space<vmem>>)
      %scan3A_59 = arith.constant 0 : i32
      %scan3A_60 = arith.constant 0 : i32
      %scan3A_61 = arith.constant 128 : i32
      %scan3A_62 = arith.addi %scan3A_60, %scan3A_61 : i32
      %scan3A_63 = arith.constant 1 : i32
      scf.for %scan3A_150 = %scan3A_60 to %scan3A_62 step %scan3A_63  : i32 {
        %get3A = arith.index_cast %scan3A_150 : i32 to index
        %get3A_151 = arith.constant 0 : index
        %get3A_152 = tpu.vector_load %arg10[%get3A, %get3A_151] {strides = array<i32>} : memref<128x64xf32, #tpu.memory_space<vmem>>, vector<1x16xf32>,
        %get3A_153 = vector.shape_cast %get3A_152 : vector<1x16xf32> to vector<16xf32>
        %get3A_154 = arith.index_cast %scan3A_150 : i32 to index
        %get3A_155 = arith.constant 0 : index
        %get3A_156 = tpu.vector_load %arg14[%get3A_154, %get3A_155] {strides = array<i32>} : memref<128x64xf32, #tpu.memory_space<vmem>>, vector<1x16xf32>,
        %get3A_157 = vector.shape_cast %get3A_156 : vector<1x16xf32> to vector<16xf32>
        %neg3A = arith.constant 0.000000e+00 : f32
        %neg3A_158 = vector.broadcast %neg3A : f32 to vector<16xf32>
        %neg3A_159 = arith.subf %neg3A_158, %get3A_157 : vector<16xf32>
        %exp3A = math.exp %neg3A_159 : vector<16xf32>
        %add3A_160 = arith.constant 1.000000e+00 : f32
        %add3A_161 = vector.broadcast %add3A_160 : f32 to vector<16xf32>
        %add3A_162 = arith.addf %add3A_161, %exp3A : vector<16xf32>
        %div3A = arith.constant 1.000000e+00 : f32
        %div3A_163 = vector.broadcast %div3A : f32 to vector<16xf32>
        %div3A_164 = arith.divf %div3A_163, %add3A_162 : vector<16xf32>
        %neg3A_165 = arith.constant 0.000000e+00 : f32
        %neg3A_166 = vector.broadcast %neg3A_165 : f32 to vector<16xf32>
        %neg3A_167 = arith.subf %neg3A_166, %div3A_164 : vector<16xf32>
        %max3A = arith.maximumf %get3A_153, %neg3A_167 : vector<16xf32>
        %min3A = arith.minimumf %max3A, %div3A_164 : vector<16xf32>
        %sub3A = arith.subf %get3A_153, %min3A : vector<16xf32>
        %swap3A = arith.index_cast %scan3A_150 : i32 to index
        %swap3A_168 = arith.constant 0 : index
        %swap3A_169 = tpu.vector_load %arg10[%swap3A, %swap3A_168] {strides = array<i32>} : memref<128x64xf32, #tpu.memory_space<vmem>>, vector<1x16xf32>,
        %swap3A_170 = vector.shape_cast %swap3A_169 : vector<1x16xf32> to vector<16xf32>
        %swap3A_171 = vector.shape_cast %sub3A : vector<16xf32> to vector<1x16xf32>
        tpu.vector_store %arg10[%swap3A, %swap3A_168], %swap3A_171 {strides = array<i32>} : memref<128x64xf32, #tpu.memory_space<vmem>>, vector<1x16xf32>,
        %get3A_172 = arith.index_cast %scan3A_150 : i32 to index
        %get3A_173 = arith.constant 16 : index
        %get3A_174 = tpu.vector_load %arg10[%get3A_172, %get3A_173] {strides = array<i32>} : memref<128x64xf32, #tpu.memory_space<vmem>>, vector<1x16xf32>,
        %get3A_175 = vector.shape_cast %get3A_174 : vector<1x16xf32> to vector<16xf32>
        %get3A_176 = arith.index_cast %scan3A_150 : i32 to index
        %get3A_177 = arith.constant 16 : index
        %get3A_178 = tpu.vector_load %arg14[%get3A_176, %get3A_177] {strides = array<i32>} : memref<128x64xf32, #tpu.memory_space<vmem>>, vector<1x16xf32>,
        %get3A_179 = vector.shape_cast %get3A_178 : vector<1x16xf32> to vector<16xf32>
        %neg3A_180 = arith.constant 0.000000e+00 : f32
        %neg3A_181 = vector.broadcast %neg3A_180 : f32 to vector<16xf32>
        %neg3A_182 = arith.subf %neg3A_181, %get3A_179 : vector<16xf32>
        %exp3A_183 = math.exp %neg3A_182 : vector<16xf32>
        %add3A_184 = arith.constant 1.000000e+00 : f32
        %add3A_185 = vector.broadcast %add3A_184 : f32 to vector<16xf32>
        %add3A_186 = arith.addf %add3A_185, %exp3A_183 : vector<16xf32>
        %div3A_187 = arith.constant 1.000000e+00 : f32
        %div3A_188 = vector.broadcast %div3A_187 : f32 to vector<16xf32>
        %div3A_189 = arith.divf %div3A_188, %add3A_186 : vector<16xf32>
        %neg3A_190 = arith.constant 0.000000e+00 : f32
        %neg3A_191 = vector.broadcast %neg3A_190 : f32 to vector<16xf32>
        %neg3A_192 = arith.subf %neg3A_191, %div3A_189 : vector<16xf32>
        %max3A_193 = arith.maximumf %get3A_175, %neg3A_192 : vector<16xf32>
        %min3A_194 = arith.minimumf %max3A_193, %div3A_189 : vector<16xf32>
        %sub3A_195 = arith.subf %get3A_175, %min3A_194 : vector<16xf32>
        %swap3A_196 = arith.index_cast %scan3A_150 : i32 to index
        %swap3A_197 = arith.constant 16 : index
        %swap3A_198 = tpu.vector_load %arg10[%swap3A_196, %swap3A_197] {strides = array<i32>} : memref<128x64xf32, #tpu.memory_space<vmem>>, vector<1x16xf32>,
        %swap3A_199 = vector.shape_cast %swap3A_198 : vector<1x16xf32> to vector<16xf32>
        %swap3A_200 = vector.shape_cast %sub3A_195 : vector<16xf32> to vector<1x16xf32>
        tpu.vector_store %arg10[%swap3A_196, %swap3A_197], %swap3A_200 {strides = array<i32>} : memref<128x64xf32, #tpu.memory_space<vmem>>, vector<1x16xf32>,
        %get3A_201 = arith.index_cast %scan3A_150 : i32 to index
        %get3A_202 = arith.constant 32 : index
        %get3A_203 = tpu.vector_load %arg10[%get3A_201, %get3A_202] {strides = array<i32>} : memref<128x64xf32, #tpu.memory_space<vmem>>, vector<1x16xf32>,
        %get3A_204 = vector.shape_cast %get3A_203 : vector<1x16xf32> to vector<16xf32>
        %get3A_205 = arith.index_cast %scan3A_150 : i32 to index
        %get3A_206 = arith.constant 32 : index
        %get3A_207 = tpu.vector_load %arg14[%get3A_205, %get3A_206] {strides = array<i32>} : memref<128x64xf32, #tpu.memory_space<vmem>>, vector<1x16xf32>,
        %get3A_208 = vector.shape_cast %get3A_207 : vector<1x16xf32> to vector<16xf32>
        %neg3A_209 = arith.constant 0.000000e+00 : f32
        %neg3A_210 = vector.broadcast %neg3A_209 : f32 to vector<16xf32>
        %neg3A_211 = arith.subf %neg3A_210, %get3A_208 : vector<16xf32>
        %exp3A_212 = math.exp %neg3A_211 : vector<16xf32>
        %add3A_213 = arith.constant 1.000000e+00 : f32
        %add3A_214 = vector.broadcast %add3A_213 : f32 to vector<16xf32>
        %add3A_215 = arith.addf %add3A_214, %exp3A_212 : vector<16xf32>
        %div3A_216 = arith.constant 1.000000e+00 : f32
        %div3A_217 = vector.broadcast %div3A_216 : f32 to vector<16xf32>
        %div3A_218 = arith.divf %div3A_217, %add3A_215 : vector<16xf32>
        %neg3A_219 = arith.constant 0.000000e+00 : f32
        %neg3A_220 = vector.broadcast %neg3A_219 : f32 to vector<16xf32>
        %neg3A_221 = arith.subf %neg3A_220, %div3A_218 : vector<16xf32>
        %max3A_222 = arith.maximumf %get3A_204, %neg3A_221 : vector<16xf32>
        %min3A_223 = arith.minimumf %max3A_222, %div3A_218 : vector<16xf32>
        %sub3A_224 = arith.subf %get3A_204, %min3A_223 : vector<16xf32>
        %swap3A_225 = arith.index_cast %scan3A_150 : i32 to index
        %swap3A_226 = arith.constant 32 : index
        %swap3A_227 = tpu.vector_load %arg10[%swap3A_225, %swap3A_226] {strides = array<i32>} : memref<128x64xf32, #tpu.memory_space<vmem>>, vector<1x16xf32>,
        %swap3A_228 = vector.shape_cast %swap3A_227 : vector<1x16xf32> to vector<16xf32>
        %swap3A_229 = vector.shape_cast %sub3A_224 : vector<16xf32> to vector<1x16xf32>
        tpu.vector_store %arg10[%swap3A_225, %swap3A_226], %swap3A_229 {strides = array<i32>} : memref<128x64xf32, #tpu.memory_space<vmem>>, vector<1x16xf32>,
        %get3A_230 = arith.index_cast %scan3A_150 : i32 to index
        %get3A_231 = arith.constant 48 : index
        %get3A_232 = tpu.vector_load %arg10[%get3A_230, %get3A_231] {strides = array<i32>} : memref<128x64xf32, #tpu.memory_space<vmem>>, vector<1x16xf32>,
        %get3A_233 = vector.shape_cast %get3A_232 : vector<1x16xf32> to vector<16xf32>
        %get3A_234 = arith.index_cast %scan3A_150 : i32 to index
        %get3A_235 = arith.constant 48 : index
        %get3A_236 = tpu.vector_load %arg14[%get3A_234, %get3A_235] {strides = array<i32>} : memref<128x64xf32, #tpu.memory_space<vmem>>, vector<1x16xf32>,
        %get3A_237 = vector.shape_cast %get3A_236 : vector<1x16xf32> to vector<16xf32>
        %neg3A_238 = arith.constant 0.000000e+00 : f32
        %neg3A_239 = vector.broadcast %neg3A_238 : f32 to vector<16xf32>
        %neg3A_240 = arith.subf %neg3A_239, %get3A_237 : vector<16xf32>
        %exp3A_241 = math.exp %neg3A_240 : vector<16xf32>
        %add3A_242 = arith.constant 1.000000e+00 : f32
        %add3A_243 = vector.broadcast %add3A_242 : f32 to vector<16xf32>
        %add3A_244 = arith.addf %add3A_243, %exp3A_241 : vector<16xf32>
        %div3A_245 = arith.constant 1.000000e+00 : f32
        %div3A_246 = vector.broadcast %div3A_245 : f32 to vector<16xf32>
        %div3A_247 = arith.divf %div3A_246, %add3A_244 : vector<16xf32>
        %neg3A_248 = arith.constant 0.000000e+00 : f32
        %neg3A_249 = vector.broadcast %neg3A_248 : f32 to vector<16xf32>
        %neg3A_250 = arith.subf %neg3A_249, %div3A_247 : vector<16xf32>
        %max3A_251 = arith.maximumf %get3A_233, %neg3A_250 : vector<16xf32>
        %min3A_252 = arith.minimumf %max3A_251, %div3A_247 : vector<16xf32>
        %sub3A_253 = arith.subf %get3A_233, %min3A_252 : vector<16xf32>
        %swap3A_254 = arith.index_cast %scan3A_150 : i32 to index
        %swap3A_255 = arith.constant 48 : index
        %swap3A_256 = tpu.vector_load %arg10[%swap3A_254, %swap3A_255] {strides = array<i32>} : memref<128x64xf32, #tpu.memory_space<vmem>>, vector<1x16xf32>,
        %swap3A_257 = vector.shape_cast %swap3A_256 : vector<1x16xf32> to vector<16xf32>
        %swap3A_258 = vector.shape_cast %sub3A_253 : vector<16xf32> to vector<1x16xf32>
        tpu.vector_store %arg10[%swap3A_254, %swap3A_255], %swap3A_258 {strides = array<i32>} : memref<128x64xf32, #tpu.memory_space<vmem>>, vector<1x16xf32>,
      }
      %scan3A_64 = arith.constant 128 : i32
      %mul3A_65 = arith.constant 128 : i32
      %mul3A_66 = arith.muli %add3A_52, %mul3A_65 : i32
      %add3A_67 = arith.addi %mul3A_2, %mul3A_66 : i32
      "tpu.region"() ({
        %run_scoped3A = tpu.sem_alloc : memref<!tpu.dma_semaphore, #tpu.memory_space<semaphore_mem>>
        %dma_start3A_150 = arith.constant 0 : i32
        %dma_start3A_151 = tpu.memref_slice %arg5[%add3A_67, %dma_start3A_150] : memref<327680x64xf32, #tpu.memory_space<hbm>> -> memref<128x64xf32, #tpu.memory_space<hbm>>
        %dma_start3A_152 = arith.constant 0 : i32
        %dma_start3A_153 = tpu.memref_slice %arg5[%add3A_67, %dma_start3A_152] : memref<327680x64xf32, #tpu.memory_space<hbm>> -> memref<128x64xf32, #tpu.memory_space<hbm>>
        tpu.enqueue_dma source(%arg10 : memref<128x64xf32, #tpu.memory_space<vmem>>) target(%dma_start3A_153 : memref<128x64xf32, #tpu.memory_space<hbm>>) target_semaphore(%run_scoped3A : memref<!tpu.dma_semaphore, #tpu.memory_space<semaphore_mem>>)
        %dma_wait3A_154 = arith.constant 0 : i32
        %dma_wait3A_155 = tpu.memref_slice %arg5[%add3A_67, %dma_wait3A_154] : memref<327680x64xf32, #tpu.memory_space<hbm>> -> memref<128x64xf32, #tpu.memory_space<hbm>>
        %dma_wait3A_156 = arith.constant 0 : i32
        %dma_wait3A_157 = tpu.memref_slice %arg5[%add3A_67, %dma_wait3A_156] : memref<327680x64xf32, #tpu.memory_space<hbm>> -> memref<128x64xf32, #tpu.memory_space<hbm>>
        tpu.wait_dma2 semaphore(%run_scoped3A : memref<!tpu.dma_semaphore, #tpu.memory_space<semaphore_mem>>) src(%arg10 : memref<128x64xf32, #tpu.memory_space<vmem>>) dst(%dma_wait3A_157 : memref<128x64xf32, #tpu.memory_space<hbm>>)
        tpu.yield
      }) : () -> ()
      %add3A_68 = arith.constant 4 : i32
      %add3A_69 = arith.addi %add3A_52, %add3A_68 : i32
      %lt3A = arith.constant 80 : i32
      %lt3A_70 = arith.cmpi slt, %add3A_69, %lt3A : i32
      %convert_element_type3A = arith.extui %lt3A_70 : i1 to i32
      %cond3A = arith.constant 0 : i32
      %cond3A_71 = arith.cmpi ne, %convert_element_type3A, %cond3A : i32
      scf.if %cond3A_71 {
        %add3A_150 = arith.constant 4 : i32
        %add3A_151 = arith.addi %add3A_52, %add3A_150 : i32
        %mul3A_152 = arith.constant 128 : i32
        %mul3A_153 = arith.muli %add3A_151, %mul3A_152 : i32
        %add3A_154 = arith.addi %mul3A_2, %mul3A_153 : i32
        %dma_start3A_155 = tpu.memref_slice %arg2[%add3A_154] : memref<327680xi32, #tpu.memory_space<hbm>> -> memref<128xi32, #tpu.memory_space<hbm>>
        %dma_start3A_156 = tpu.memref_slice %arg2[%add3A_154] : memref<327680xi32, #tpu.memory_space<hbm>> -> memref<128xi32, #tpu.memory_space<hbm>>
        tpu.enqueue_dma source(%dma_start3A_156 : memref<128xi32, #tpu.memory_space<hbm>>) target(%arg6 : memref<128xi32, #tpu.memory_space<vmem>>) target_semaphore(%arg19 : memref<!tpu.dma_semaphore, #tpu.memory_space<semaphore_mem>>)
        %dma_wait3A_157 = tpu.memref_slice %arg2[%add3A_154] : memref<327680xi32, #tpu.memory_space<hbm>> -> memref<128xi32, #tpu.memory_space<hbm>>
        %dma_wait3A_158 = tpu.memref_slice %arg2[%add3A_154] : memref<327680xi32, #tpu.memory_space<hbm>> -> memref<128xi32, #tpu.memory_space<hbm>>
        tpu.wait_dma2 semaphore(%arg19 : memref<!tpu.dma_semaphore, #tpu.memory_space<semaphore_mem>>) src(%dma_wait3A_158 : memref<128xi32, #tpu.memory_space<hbm>>) dst(%arg6 : memref<128xi32, #tpu.memory_space<vmem>>)
        %dma_start3A_159 = arith.constant 0 : i32
        %dma_start3A_160 = arith.constant 0 : i32
        %dma_start3A_161 = tpu.memref_slice %arg3[%dma_start3A_159, %dma_start3A_160] : memref<1000000x64xf32, #tpu.memory_space<hbm>> -> memref<1000000x64xf32, #tpu.memory_space<hbm>>
        tpu.enqueue_indirect_dma source(%dma_start3A_161 : memref<1000000x64xf32, #tpu.memory_space<hbm>>) target(%arg10 : memref<128x64xf32, #tpu.memory_space<vmem>>) offsets(%arg6 : memref<128xi32, #tpu.memory_space<vmem>>) semaphore(%arg19 : memref<!tpu.dma_semaphore, #tpu.memory_space<semaphore_mem>>)
        %dma_start3A_162 = arith.constant 0 : i32
        %dma_start3A_163 = arith.constant 0 : i32
        %dma_start3A_164 = tpu.memref_slice %arg4[%dma_start3A_162, %dma_start3A_163] : memref<1000000x64xf32, #tpu.memory_space<hbm>> -> memref<1000000x64xf32, #tpu.memory_space<hbm>>
        tpu.enqueue_indirect_dma source(%dma_start3A_164 : memref<1000000x64xf32, #tpu.memory_space<hbm>>) target(%arg14 : memref<128x64xf32, #tpu.memory_space<vmem>>) offsets(%arg6 : memref<128xi32, #tpu.memory_space<vmem>>) semaphore(%arg23 : memref<!tpu.dma_semaphore, #tpu.memory_space<semaphore_mem>>)
      } else {
      }
      %mul3A_72 = arith.constant 4 : i32
      %mul3A_73 = arith.muli %scan3A_48, %mul3A_72 : i32
      %add3A_74 = arith.constant 1 : i32
      %add3A_75 = arith.addi %mul3A_73, %add3A_74 : i32
      %dma_wait3A_76 = arith.constant 0 : i32
      %dma_wait3A_77 = arith.constant 0 : i32
      %dma_wait3A_78 = tpu.memref_slice %arg3[%dma_wait3A_76, %dma_wait3A_77] : memref<1000000x64xf32, #tpu.memory_space<hbm>> -> memref<1000000x64xf32, #tpu.memory_space<hbm>>
      tpu.wait_indirect_dma semaphore(%arg20 : memref<!tpu.dma_semaphore, #tpu.memory_space<semaphore_mem>>) src(%dma_wait3A_78 : memref<1000000x64xf32, #tpu.memory_space<hbm>>) dst(%arg11 : memref<128x64xf32, #tpu.memory_space<vmem>>)
      %dma_wait3A_79 = arith.constant 0 : i32
      %dma_wait3A_80 = arith.constant 0 : i32
      %dma_wait3A_81 = tpu.memref_slice %arg4[%dma_wait3A_79, %dma_wait3A_80] : memref<1000000x64xf32, #tpu.memory_space<hbm>> -> memref<1000000x64xf32, #tpu.memory_space<hbm>>
      tpu.wait_indirect_dma semaphore(%arg24 : memref<!tpu.dma_semaphore, #tpu.memory_space<semaphore_mem>>) src(%dma_wait3A_81 : memref<1000000x64xf32, #tpu.memory_space<hbm>>) dst(%arg15 : memref<128x64xf32, #tpu.memory_space<vmem>>)
      %scan3A_82 = arith.constant 0 : i32
      %scan3A_83 = arith.constant 0 : i32
      %scan3A_84 = arith.constant 128 : i32
      %scan3A_85 = arith.addi %scan3A_83, %scan3A_84 : i32
      %scan3A_86 = arith.constant 1 : i32
      scf.for %scan3A_150 = %scan3A_83 to %scan3A_85 step %scan3A_86  : i32 {
        %get3A = arith.index_cast %scan3A_150 : i32 to index
        %get3A_151 = arith.constant 0 : index
        %get3A_152 = tpu.vector_load %arg11[%get3A, %get3A_151] {strides = array<i32>} : memref<128x64xf32, #tpu.memory_space<vmem>>, vector<1x16xf32>,
        %get3A_153 = vector.shape_cast %get3A_152 : vector<1x16xf32> to vector<16xf32>
        %get3A_154 = arith.index_cast %scan3A_150 : i32 to index
        %get3A_155 = arith.constant 0 : index
        %get3A_156 = tpu.vector_load %arg15[%get3A_154, %get3A_155] {strides = array<i32>} : memref<128x64xf32, #tpu.memory_space<vmem>>, vector<1x16xf32>,
        %get3A_157 = vector.shape_cast %get3A_156 : vector<1x16xf32> to vector<16xf32>
        %neg3A = arith.constant 0.000000e+00 : f32
        %neg3A_158 = vector.broadcast %neg3A : f32 to vector<16xf32>
        %neg3A_159 = arith.subf %neg3A_158, %get3A_157 : vector<16xf32>
        %exp3A = math.exp %neg3A_159 : vector<16xf32>
        %add3A_160 = arith.constant 1.000000e+00 : f32
        %add3A_161 = vector.broadcast %add3A_160 : f32 to vector<16xf32>
        %add3A_162 = arith.addf %add3A_161, %exp3A : vector<16xf32>
        %div3A = arith.constant 1.000000e+00 : f32
        %div3A_163 = vector.broadcast %div3A : f32 to vector<16xf32>
        %div3A_164 = arith.divf %div3A_163, %add3A_162 : vector<16xf32>
        %neg3A_165 = arith.constant 0.000000e+00 : f32
        %neg3A_166 = vector.broadcast %neg3A_165 : f32 to vector<16xf32>
        %neg3A_167 = arith.subf %neg3A_166, %div3A_164 : vector<16xf32>
        %max3A = arith.maximumf %get3A_153, %neg3A_167 : vector<16xf32>
        %min3A = arith.minimumf %max3A, %div3A_164 : vector<16xf32>
        %sub3A = arith.subf %get3A_153, %min3A : vector<16xf32>
        %swap3A = arith.index_cast %scan3A_150 : i32 to index
        %swap3A_168 = arith.constant 0 : index
        %swap3A_169 = tpu.vector_load %arg11[%swap3A, %swap3A_168] {strides = array<i32>} : memref<128x64xf32, #tpu.memory_space<vmem>>, vector<1x16xf32>,
        %swap3A_170 = vector.shape_cast %swap3A_169 : vector<1x16xf32> to vector<16xf32>
        %swap3A_171 = vector.shape_cast %sub3A : vector<16xf32> to vector<1x16xf32>
        tpu.vector_store %arg11[%swap3A, %swap3A_168], %swap3A_171 {strides = array<i32>} : memref<128x64xf32, #tpu.memory_space<vmem>>, vector<1x16xf32>,
        %get3A_172 = arith.index_cast %scan3A_150 : i32 to index
        %get3A_173 = arith.constant 16 : index
        %get3A_174 = tpu.vector_load %arg11[%get3A_172, %get3A_173] {strides = array<i32>} : memref<128x64xf32, #tpu.memory_space<vmem>>, vector<1x16xf32>,
        %get3A_175 = vector.shape_cast %get3A_174 : vector<1x16xf32> to vector<16xf32>
        %get3A_176 = arith.index_cast %scan3A_150 : i32 to index
        %get3A_177 = arith.constant 16 : index
        %get3A_178 = tpu.vector_load %arg15[%get3A_176, %get3A_177] {strides = array<i32>} : memref<128x64xf32, #tpu.memory_space<vmem>>, vector<1x16xf32>,
        %get3A_179 = vector.shape_cast %get3A_178 : vector<1x16xf32> to vector<16xf32>
        %neg3A_180 = arith.constant 0.000000e+00 : f32
        %neg3A_181 = vector.broadcast %neg3A_180 : f32 to vector<16xf32>
        %neg3A_182 = arith.subf %neg3A_181, %get3A_179 : vector<16xf32>
        %exp3A_183 = math.exp %neg3A_182 : vector<16xf32>
        %add3A_184 = arith.constant 1.000000e+00 : f32
        %add3A_185 = vector.broadcast %add3A_184 : f32 to vector<16xf32>
        %add3A_186 = arith.addf %add3A_185, %exp3A_183 : vector<16xf32>
        %div3A_187 = arith.constant 1.000000e+00 : f32
        %div3A_188 = vector.broadcast %div3A_187 : f32 to vector<16xf32>
        %div3A_189 = arith.divf %div3A_188, %add3A_186 : vector<16xf32>
        %neg3A_190 = arith.constant 0.000000e+00 : f32
        %neg3A_191 = vector.broadcast %neg3A_190 : f32 to vector<16xf32>
        %neg3A_192 = arith.subf %neg3A_191, %div3A_189 : vector<16xf32>
        %max3A_193 = arith.maximumf %get3A_175, %neg3A_192 : vector<16xf32>
        %min3A_194 = arith.minimumf %max3A_193, %div3A_189 : vector<16xf32>
        %sub3A_195 = arith.subf %get3A_175, %min3A_194 : vector<16xf32>
        %swap3A_196 = arith.index_cast %scan3A_150 : i32 to index
        %swap3A_197 = arith.constant 16 : index
        %swap3A_198 = tpu.vector_load %arg11[%swap3A_196, %swap3A_197] {strides = array<i32>} : memref<128x64xf32, #tpu.memory_space<vmem>>, vector<1x16xf32>,
        %swap3A_199 = vector.shape_cast %swap3A_198 : vector<1x16xf32> to vector<16xf32>
        %swap3A_200 = vector.shape_cast %sub3A_195 : vector<16xf32> to vector<1x16xf32>
        tpu.vector_store %arg11[%swap3A_196, %swap3A_197], %swap3A_200 {strides = array<i32>} : memref<128x64xf32, #tpu.memory_space<vmem>>, vector<1x16xf32>,
        %get3A_201 = arith.index_cast %scan3A_150 : i32 to index
        %get3A_202 = arith.constant 32 : index
        %get3A_203 = tpu.vector_load %arg11[%get3A_201, %get3A_202] {strides = array<i32>} : memref<128x64xf32, #tpu.memory_space<vmem>>, vector<1x16xf32>,
        %get3A_204 = vector.shape_cast %get3A_203 : vector<1x16xf32> to vector<16xf32>
        %get3A_205 = arith.index_cast %scan3A_150 : i32 to index
        %get3A_206 = arith.constant 32 : index
        %get3A_207 = tpu.vector_load %arg15[%get3A_205, %get3A_206] {strides = array<i32>} : memref<128x64xf32, #tpu.memory_space<vmem>>, vector<1x16xf32>,
        %get3A_208 = vector.shape_cast %get3A_207 : vector<1x16xf32> to vector<16xf32>
        %neg3A_209 = arith.constant 0.000000e+00 : f32
        %neg3A_210 = vector.broadcast %neg3A_209 : f32 to vector<16xf32>
        %neg3A_211 = arith.subf %neg3A_210, %get3A_208 : vector<16xf32>
        %exp3A_212 = math.exp %neg3A_211 : vector<16xf32>
        %add3A_213 = arith.constant 1.000000e+00 : f32
        %add3A_214 = vector.broadcast %add3A_213 : f32 to vector<16xf32>
        %add3A_215 = arith.addf %add3A_214, %exp3A_212 : vector<16xf32>
        %div3A_216 = arith.constant 1.000000e+00 : f32
        %div3A_217 = vector.broadcast %div3A_216 : f32 to vector<16xf32>
        %div3A_218 = arith.divf %div3A_217, %add3A_215 : vector<16xf32>
        %neg3A_219 = arith.constant 0.000000e+00 : f32
        %neg3A_220 = vector.broadcast %neg3A_219 : f32 to vector<16xf32>
        %neg3A_221 = arith.subf %neg3A_220, %div3A_218 : vector<16xf32>
        %max3A_222 = arith.maximumf %get3A_204, %neg3A_221 : vector<16xf32>
        %min3A_223 = arith.minimumf %max3A_222, %div3A_218 : vector<16xf32>
        %sub3A_224 = arith.subf %get3A_204, %min3A_223 : vector<16xf32>
        %swap3A_225 = arith.index_cast %scan3A_150 : i32 to index
        %swap3A_226 = arith.constant 32 : index
        %swap3A_227 = tpu.vector_load %arg11[%swap3A_225, %swap3A_226] {strides = array<i32>} : memref<128x64xf32, #tpu.memory_space<vmem>>, vector<1x16xf32>,
        %swap3A_228 = vector.shape_cast %swap3A_227 : vector<1x16xf32> to vector<16xf32>
        %swap3A_229 = vector.shape_cast %sub3A_224 : vector<16xf32> to vector<1x16xf32>
        tpu.vector_store %arg11[%swap3A_225, %swap3A_226], %swap3A_229 {strides = array<i32>} : memref<128x64xf32, #tpu.memory_space<vmem>>, vector<1x16xf32>,
        %get3A_230 = arith.index_cast %scan3A_150 : i32 to index
        %get3A_231 = arith.constant 48 : index
        %get3A_232 = tpu.vector_load %arg11[%get3A_230, %get3A_231] {strides = array<i32>} : memref<128x64xf32, #tpu.memory_space<vmem>>, vector<1x16xf32>,
        %get3A_233 = vector.shape_cast %get3A_232 : vector<1x16xf32> to vector<16xf32>
        %get3A_234 = arith.index_cast %scan3A_150 : i32 to index
        %get3A_235 = arith.constant 48 : index
        %get3A_236 = tpu.vector_load %arg15[%get3A_234, %get3A_235] {strides = array<i32>} : memref<128x64xf32, #tpu.memory_space<vmem>>, vector<1x16xf32>,
        %get3A_237 = vector.shape_cast %get3A_236 : vector<1x16xf32> to vector<16xf32>
        %neg3A_238 = arith.constant 0.000000e+00 : f32
        %neg3A_239 = vector.broadcast %neg3A_238 : f32 to vector<16xf32>
        %neg3A_240 = arith.subf %neg3A_239, %get3A_237 : vector<16xf32>
        %exp3A_241 = math.exp %neg3A_240 : vector<16xf32>
        %add3A_242 = arith.constant 1.000000e+00 : f32
        %add3A_243 = vector.broadcast %add3A_242 : f32 to vector<16xf32>
        %add3A_244 = arith.addf %add3A_243, %exp3A_241 : vector<16xf32>
        %div3A_245 = arith.constant 1.000000e+00 : f32
        %div3A_246 = vector.broadcast %div3A_245 : f32 to vector<16xf32>
        %div3A_247 = arith.divf %div3A_246, %add3A_244 : vector<16xf32>
        %neg3A_248 = arith.constant 0.000000e+00 : f32
        %neg3A_249 = vector.broadcast %neg3A_248 : f32 to vector<16xf32>
        %neg3A_250 = arith.subf %neg3A_249, %div3A_247 : vector<16xf32>
        %max3A_251 = arith.maximumf %get3A_233, %neg3A_250 : vector<16xf32>
        %min3A_252 = arith.minimumf %max3A_251, %div3A_247 : vector<16xf32>
        %sub3A_253 = arith.subf %get3A_233, %min3A_252 : vector<16xf32>
        %swap3A_254 = arith.index_cast %scan3A_150 : i32 to index
        %swap3A_255 = arith.constant 48 : index
        %swap3A_256 = tpu.vector_load %arg11[%swap3A_254, %swap3A_255] {strides = array<i32>} : memref<128x64xf32, #tpu.memory_space<vmem>>, vector<1x16xf32>,
        %swap3A_257 = vector.shape_cast %swap3A_256 : vector<1x16xf32> to vector<16xf32>
        %swap3A_258 = vector.shape_cast %sub3A_253 : vector<16xf32> to vector<1x16xf32>
        tpu.vector_store %arg11[%swap3A_254, %swap3A_255], %swap3A_258 {strides = array<i32>} : memref<128x64xf32, #tpu.memory_space<vmem>>, vector<1x16xf32>,
      }
      %scan3A_87 = arith.constant 128 : i32
      %mul3A_88 = arith.constant 128 : i32
      %mul3A_89 = arith.muli %add3A_75, %mul3A_88 : i32
      %add3A_90 = arith.addi %mul3A_2, %mul3A_89 : i32
      "tpu.region"() ({
        %run_scoped3A = tpu.sem_alloc : memref<!tpu.dma_semaphore, #tpu.memory_space<semaphore_mem>>
        %dma_start3A_150 = arith.constant 0 : i32
        %dma_start3A_151 = tpu.memref_slice %arg5[%add3A_90, %dma_start3A_150] : memref<327680x64xf32, #tpu.memory_space<hbm>> -> memref<128x64xf32, #tpu.memory_space<hbm>>
        %dma_start3A_152 = arith.constant 0 : i32
        %dma_start3A_153 = tpu.memref_slice %arg5[%add3A_90, %dma_start3A_152] : memref<327680x64xf32, #tpu.memory_space<hbm>> -> memref<128x64xf32, #tpu.memory_space<hbm>>
        tpu.enqueue_dma source(%arg11 : memref<128x64xf32, #tpu.memory_space<vmem>>) target(%dma_start3A_153 : memref<128x64xf32, #tpu.memory_space<hbm>>) target_semaphore(%run_scoped3A : memref<!tpu.dma_semaphore, #tpu.memory_space<semaphore_mem>>)
        %dma_wait3A_154 = arith.constant 0 : i32
        %dma_wait3A_155 = tpu.memref_slice %arg5[%add3A_90, %dma_wait3A_154] : memref<327680x64xf32, #tpu.memory_space<hbm>> -> memref<128x64xf32, #tpu.memory_space<hbm>>
        %dma_wait3A_156 = arith.constant 0 : i32
        %dma_wait3A_157 = tpu.memref_slice %arg5[%add3A_90, %dma_wait3A_156] : memref<327680x64xf32, #tpu.memory_space<hbm>> -> memref<128x64xf32, #tpu.memory_space<hbm>>
        tpu.wait_dma2 semaphore(%run_scoped3A : memref<!tpu.dma_semaphore, #tpu.memory_space<semaphore_mem>>) src(%arg11 : memref<128x64xf32, #tpu.memory_space<vmem>>) dst(%dma_wait3A_157 : memref<128x64xf32, #tpu.memory_space<hbm>>)
        tpu.yield
      }) : () -> ()
      %add3A_91 = arith.constant 4 : i32
      %add3A_92 = arith.addi %add3A_75, %add3A_91 : i32
      %lt3A_93 = arith.constant 80 : i32
      %lt3A_94 = arith.cmpi slt, %add3A_92, %lt3A_93 : i32
      %convert_element_type3A_95 = arith.extui %lt3A_94 : i1 to i32
      %cond3A_96 = arith.constant 0 : i32
      %cond3A_97 = arith.cmpi ne, %convert_element_type3A_95, %cond3A_96 : i32
      scf.if %cond3A_97 {
        %add3A_150 = arith.constant 4 : i32
        %add3A_151 = arith.addi %add3A_75, %add3A_150 : i32
        %mul3A_152 = arith.constant 128 : i32
        %mul3A_153 = arith.muli %add3A_151, %mul3A_152 : i32
        %add3A_154 = arith.addi %mul3A_2, %mul3A_153 : i32
        %dma_start3A_155 = tpu.memref_slice %arg2[%add3A_154] : memref<327680xi32, #tpu.memory_space<hbm>> -> memref<128xi32, #tpu.memory_space<hbm>>
        %dma_start3A_156 = tpu.memref_slice %arg2[%add3A_154] : memref<327680xi32, #tpu.memory_space<hbm>> -> memref<128xi32, #tpu.memory_space<hbm>>
        tpu.enqueue_dma source(%dma_start3A_156 : memref<128xi32, #tpu.memory_space<hbm>>) target(%arg7 : memref<128xi32, #tpu.memory_space<vmem>>) target_semaphore(%arg20 : memref<!tpu.dma_semaphore, #tpu.memory_space<semaphore_mem>>)
        %dma_wait3A_157 = tpu.memref_slice %arg2[%add3A_154] : memref<327680xi32, #tpu.memory_space<hbm>> -> memref<128xi32, #tpu.memory_space<hbm>>
        %dma_wait3A_158 = tpu.memref_slice %arg2[%add3A_154] : memref<327680xi32, #tpu.memory_space<hbm>> -> memref<128xi32, #tpu.memory_space<hbm>>
        tpu.wait_dma2 semaphore(%arg20 : memref<!tpu.dma_semaphore, #tpu.memory_space<semaphore_mem>>) src(%dma_wait3A_158 : memref<128xi32, #tpu.memory_space<hbm>>) dst(%arg7 : memref<128xi32, #tpu.memory_space<vmem>>)
        %dma_start3A_159 = arith.constant 0 : i32
        %dma_start3A_160 = arith.constant 0 : i32
        %dma_start3A_161 = tpu.memref_slice %arg3[%dma_start3A_159, %dma_start3A_160] : memref<1000000x64xf32, #tpu.memory_space<hbm>> -> memref<1000000x64xf32, #tpu.memory_space<hbm>>
        tpu.enqueue_indirect_dma source(%dma_start3A_161 : memref<1000000x64xf32, #tpu.memory_space<hbm>>) target(%arg11 : memref<128x64xf32, #tpu.memory_space<vmem>>) offsets(%arg7 : memref<128xi32, #tpu.memory_space<vmem>>) semaphore(%arg20 : memref<!tpu.dma_semaphore, #tpu.memory_space<semaphore_mem>>)
        %dma_start3A_162 = arith.constant 0 : i32
        %dma_start3A_163 = arith.constant 0 : i32
        %dma_start3A_164 = tpu.memref_slice %arg4[%dma_start3A_162, %dma_start3A_163] : memref<1000000x64xf32, #tpu.memory_space<hbm>> -> memref<1000000x64xf32, #tpu.memory_space<hbm>>
        tpu.enqueue_indirect_dma source(%dma_start3A_164 : memref<1000000x64xf32, #tpu.memory_space<hbm>>) target(%arg15 : memref<128x64xf32, #tpu.memory_space<vmem>>) offsets(%arg7 : memref<128xi32, #tpu.memory_space<vmem>>) semaphore(%arg24 : memref<!tpu.dma_semaphore, #tpu.memory_space<semaphore_mem>>)
      } else {
      }
      %mul3A_98 = arith.constant 4 : i32
      %mul3A_99 = arith.muli %scan3A_48, %mul3A_98 : i32
      %add3A_100 = arith.constant 2 : i32
      %add3A_101 = arith.addi %mul3A_99, %add3A_100 : i32
      %dma_wait3A_102 = arith.constant 0 : i32
      %dma_wait3A_103 = arith.constant 0 : i32
      %dma_wait3A_104 = tpu.memref_slice %arg3[%dma_wait3A_102, %dma_wait3A_103] : memref<1000000x64xf32, #tpu.memory_space<hbm>> -> memref<1000000x64xf32, #tpu.memory_space<hbm>>
      tpu.wait_indirect_dma semaphore(%arg21 : memref<!tpu.dma_semaphore, #tpu.memory_space<semaphore_mem>>) src(%dma_wait3A_104 : memref<1000000x64xf32, #tpu.memory_space<hbm>>) dst(%arg12 : memref<128x64xf32, #tpu.memory_space<vmem>>)
      %dma_wait3A_105 = arith.constant 0 : i32
      %dma_wait3A_106 = arith.constant 0 : i32
      %dma_wait3A_107 = tpu.memref_slice %arg4[%dma_wait3A_105, %dma_wait3A_106] : memref<1000000x64xf32, #tpu.memory_space<hbm>> -> memref<1000000x64xf32, #tpu.memory_space<hbm>>
      tpu.wait_indirect_dma semaphore(%arg25 : memref<!tpu.dma_semaphore, #tpu.memory_space<semaphore_mem>>) src(%dma_wait3A_107 : memref<1000000x64xf32, #tpu.memory_space<hbm>>) dst(%arg16 : memref<128x64xf32, #tpu.memory_space<vmem>>)
      %scan3A_108 = arith.constant 0 : i32
      %scan3A_109 = arith.constant 0 : i32
      %scan3A_110 = arith.constant 128 : i32
      %scan3A_111 = arith.addi %scan3A_109, %scan3A_110 : i32
      %scan3A_112 = arith.constant 1 : i32
      scf.for %scan3A_150 = %scan3A_109 to %scan3A_111 step %scan3A_112  : i32 {
        %get3A = arith.index_cast %scan3A_150 : i32 to index
        %get3A_151 = arith.constant 0 : index
        %get3A_152 = tpu.vector_load %arg12[%get3A, %get3A_151] {strides = array<i32>} : memref<128x64xf32, #tpu.memory_space<vmem>>, vector<1x16xf32>,
        %get3A_153 = vector.shape_cast %get3A_152 : vector<1x16xf32> to vector<16xf32>
        %get3A_154 = arith.index_cast %scan3A_150 : i32 to index
        %get3A_155 = arith.constant 0 : index
        %get3A_156 = tpu.vector_load %arg16[%get3A_154, %get3A_155] {strides = array<i32>} : memref<128x64xf32, #tpu.memory_space<vmem>>, vector<1x16xf32>,
        %get3A_157 = vector.shape_cast %get3A_156 : vector<1x16xf32> to vector<16xf32>
        %neg3A = arith.constant 0.000000e+00 : f32
        %neg3A_158 = vector.broadcast %neg3A : f32 to vector<16xf32>
        %neg3A_159 = arith.subf %neg3A_158, %get3A_157 : vector<16xf32>
        %exp3A = math.exp %neg3A_159 : vector<16xf32>
        %add3A_160 = arith.constant 1.000000e+00 : f32
        %add3A_161 = vector.broadcast %add3A_160 : f32 to vector<16xf32>
        %add3A_162 = arith.addf %add3A_161, %exp3A : vector<16xf32>
        %div3A = arith.constant 1.000000e+00 : f32
        %div3A_163 = vector.broadcast %div3A : f32 to vector<16xf32>
        %div3A_164 = arith.divf %div3A_163, %add3A_162 : vector<16xf32>
        %neg3A_165 = arith.constant 0.000000e+00 : f32
        %neg3A_166 = vector.broadcast %neg3A_165 : f32 to vector<16xf32>
        %neg3A_167 = arith.subf %neg3A_166, %div3A_164 : vector<16xf32>
        %max3A = arith.maximumf %get3A_153, %neg3A_167 : vector<16xf32>
        %min3A = arith.minimumf %max3A, %div3A_164 : vector<16xf32>
        %sub3A = arith.subf %get3A_153, %min3A : vector<16xf32>
        %swap3A = arith.index_cast %scan3A_150 : i32 to index
        %swap3A_168 = arith.constant 0 : index
        %swap3A_169 = tpu.vector_load %arg12[%swap3A, %swap3A_168] {strides = array<i32>} : memref<128x64xf32, #tpu.memory_space<vmem>>, vector<1x16xf32>,
        %swap3A_170 = vector.shape_cast %swap3A_169 : vector<1x16xf32> to vector<16xf32>
        %swap3A_171 = vector.shape_cast %sub3A : vector<16xf32> to vector<1x16xf32>
        tpu.vector_store %arg12[%swap3A, %swap3A_168], %swap3A_171 {strides = array<i32>} : memref<128x64xf32, #tpu.memory_space<vmem>>, vector<1x16xf32>,
        %get3A_172 = arith.index_cast %scan3A_150 : i32 to index
        %get3A_173 = arith.constant 16 : index
        %get3A_174 = tpu.vector_load %arg12[%get3A_172, %get3A_173] {strides = array<i32>} : memref<128x64xf32, #tpu.memory_space<vmem>>, vector<1x16xf32>,
        %get3A_175 = vector.shape_cast %get3A_174 : vector<1x16xf32> to vector<16xf32>
        %get3A_176 = arith.index_cast %scan3A_150 : i32 to index
        %get3A_177 = arith.constant 16 : index
        %get3A_178 = tpu.vector_load %arg16[%get3A_176, %get3A_177] {strides = array<i32>} : memref<128x64xf32, #tpu.memory_space<vmem>>, vector<1x16xf32>,
        %get3A_179 = vector.shape_cast %get3A_178 : vector<1x16xf32> to vector<16xf32>
        %neg3A_180 = arith.constant 0.000000e+00 : f32
        %neg3A_181 = vector.broadcast %neg3A_180 : f32 to vector<16xf32>
        %neg3A_182 = arith.subf %neg3A_181, %get3A_179 : vector<16xf32>
        %exp3A_183 = math.exp %neg3A_182 : vector<16xf32>
        %add3A_184 = arith.constant 1.000000e+00 : f32
        %add3A_185 = vector.broadcast %add3A_184 : f32 to vector<16xf32>
        %add3A_186 = arith.addf %add3A_185, %exp3A_183 : vector<16xf32>
        %div3A_187 = arith.constant 1.000000e+00 : f32
        %div3A_188 = vector.broadcast %div3A_187 : f32 to vector<16xf32>
        %div3A_189 = arith.divf %div3A_188, %add3A_186 : vector<16xf32>
        %neg3A_190 = arith.constant 0.000000e+00 : f32
        %neg3A_191 = vector.broadcast %neg3A_190 : f32 to vector<16xf32>
        %neg3A_192 = arith.subf %neg3A_191, %div3A_189 : vector<16xf32>
        %max3A_193 = arith.maximumf %get3A_175, %neg3A_192 : vector<16xf32>
        %min3A_194 = arith.minimumf %max3A_193, %div3A_189 : vector<16xf32>
        %sub3A_195 = arith.subf %get3A_175, %min3A_194 : vector<16xf32>
        %swap3A_196 = arith.index_cast %scan3A_150 : i32 to index
        %swap3A_197 = arith.constant 16 : index
        %swap3A_198 = tpu.vector_load %arg12[%swap3A_196, %swap3A_197] {strides = array<i32>} : memref<128x64xf32, #tpu.memory_space<vmem>>, vector<1x16xf32>,
        %swap3A_199 = vector.shape_cast %swap3A_198 : vector<1x16xf32> to vector<16xf32>
        %swap3A_200 = vector.shape_cast %sub3A_195 : vector<16xf32> to vector<1x16xf32>
        tpu.vector_store %arg12[%swap3A_196, %swap3A_197], %swap3A_200 {strides = array<i32>} : memref<128x64xf32, #tpu.memory_space<vmem>>, vector<1x16xf32>,
        %get3A_201 = arith.index_cast %scan3A_150 : i32 to index
        %get3A_202 = arith.constant 32 : index
        %get3A_203 = tpu.vector_load %arg12[%get3A_201, %get3A_202] {strides = array<i32>} : memref<128x64xf32, #tpu.memory_space<vmem>>, vector<1x16xf32>,
        %get3A_204 = vector.shape_cast %get3A_203 : vector<1x16xf32> to vector<16xf32>
        %get3A_205 = arith.index_cast %scan3A_150 : i32 to index
        %get3A_206 = arith.constant 32 : index
        %get3A_207 = tpu.vector_load %arg16[%get3A_205, %get3A_206] {strides = array<i32>} : memref<128x64xf32, #tpu.memory_space<vmem>>, vector<1x16xf32>,
        %get3A_208 = vector.shape_cast %get3A_207 : vector<1x16xf32> to vector<16xf32>
        %neg3A_209 = arith.constant 0.000000e+00 : f32
        %neg3A_210 = vector.broadcast %neg3A_209 : f32 to vector<16xf32>
        %neg3A_211 = arith.subf %neg3A_210, %get3A_208 : vector<16xf32>
        %exp3A_212 = math.exp %neg3A_211 : vector<16xf32>
        %add3A_213 = arith.constant 1.000000e+00 : f32
        %add3A_214 = vector.broadcast %add3A_213 : f32 to vector<16xf32>
        %add3A_215 = arith.addf %add3A_214, %exp3A_212 : vector<16xf32>
        %div3A_216 = arith.constant 1.000000e+00 : f32
        %div3A_217 = vector.broadcast %div3A_216 : f32 to vector<16xf32>
        %div3A_218 = arith.divf %div3A_217, %add3A_215 : vector<16xf32>
        %neg3A_219 = arith.constant 0.000000e+00 : f32
        %neg3A_220 = vector.broadcast %neg3A_219 : f32 to vector<16xf32>
        %neg3A_221 = arith.subf %neg3A_220, %div3A_218 : vector<16xf32>
        %max3A_222 = arith.maximumf %get3A_204, %neg3A_221 : vector<16xf32>
        %min3A_223 = arith.minimumf %max3A_222, %div3A_218 : vector<16xf32>
        %sub3A_224 = arith.subf %get3A_204, %min3A_223 : vector<16xf32>
        %swap3A_225 = arith.index_cast %scan3A_150 : i32 to index
        %swap3A_226 = arith.constant 32 : index
        %swap3A_227 = tpu.vector_load %arg12[%swap3A_225, %swap3A_226] {strides = array<i32>} : memref<128x64xf32, #tpu.memory_space<vmem>>, vector<1x16xf32>,
        %swap3A_228 = vector.shape_cast %swap3A_227 : vector<1x16xf32> to vector<16xf32>
        %swap3A_229 = vector.shape_cast %sub3A_224 : vector<16xf32> to vector<1x16xf32>
        tpu.vector_store %arg12[%swap3A_225, %swap3A_226], %swap3A_229 {strides = array<i32>} : memref<128x64xf32, #tpu.memory_space<vmem>>, vector<1x16xf32>,
        %get3A_230 = arith.index_cast %scan3A_150 : i32 to index
        %get3A_231 = arith.constant 48 : index
        %get3A_232 = tpu.vector_load %arg12[%get3A_230, %get3A_231] {strides = array<i32>} : memref<128x64xf32, #tpu.memory_space<vmem>>, vector<1x16xf32>,
        %get3A_233 = vector.shape_cast %get3A_232 : vector<1x16xf32> to vector<16xf32>
        %get3A_234 = arith.index_cast %scan3A_150 : i32 to index
        %get3A_235 = arith.constant 48 : index
        %get3A_236 = tpu.vector_load %arg16[%get3A_234, %get3A_235] {strides = array<i32>} : memref<128x64xf32, #tpu.memory_space<vmem>>, vector<1x16xf32>,
        %get3A_237 = vector.shape_cast %get3A_236 : vector<1x16xf32> to vector<16xf32>
        %neg3A_238 = arith.constant 0.000000e+00 : f32
        %neg3A_239 = vector.broadcast %neg3A_238 : f32 to vector<16xf32>
        %neg3A_240 = arith.subf %neg3A_239, %get3A_237 : vector<16xf32>
        %exp3A_241 = math.exp %neg3A_240 : vector<16xf32>
        %add3A_242 = arith.constant 1.000000e+00 : f32
        %add3A_243 = vector.broadcast %add3A_242 : f32 to vector<16xf32>
        %add3A_244 = arith.addf %add3A_243, %exp3A_241 : vector<16xf32>
        %div3A_245 = arith.constant 1.000000e+00 : f32
        %div3A_246 = vector.broadcast %div3A_245 : f32 to vector<16xf32>
        %div3A_247 = arith.divf %div3A_246, %add3A_244 : vector<16xf32>
        %neg3A_248 = arith.constant 0.000000e+00 : f32
        %neg3A_249 = vector.broadcast %neg3A_248 : f32 to vector<16xf32>
        %neg3A_250 = arith.subf %neg3A_249, %div3A_247 : vector<16xf32>
        %max3A_251 = arith.maximumf %get3A_233, %neg3A_250 : vector<16xf32>
        %min3A_252 = arith.minimumf %max3A_251, %div3A_247 : vector<16xf32>
        %sub3A_253 = arith.subf %get3A_233, %min3A_252 : vector<16xf32>
        %swap3A_254 = arith.index_cast %scan3A_150 : i32 to index
        %swap3A_255 = arith.constant 48 : index
        %swap3A_256 = tpu.vector_load %arg12[%swap3A_254, %swap3A_255] {strides = array<i32>} : memref<128x64xf32, #tpu.memory_space<vmem>>, vector<1x16xf32>,
        %swap3A_257 = vector.shape_cast %swap3A_256 : vector<1x16xf32> to vector<16xf32>
        %swap3A_258 = vector.shape_cast %sub3A_253 : vector<16xf32> to vector<1x16xf32>
        tpu.vector_store %arg12[%swap3A_254, %swap3A_255], %swap3A_258 {strides = array<i32>} : memref<128x64xf32, #tpu.memory_space<vmem>>, vector<1x16xf32>,
      }
      %scan3A_113 = arith.constant 128 : i32
      %mul3A_114 = arith.constant 128 : i32
      %mul3A_115 = arith.muli %add3A_101, %mul3A_114 : i32
      %add3A_116 = arith.addi %mul3A_2, %mul3A_115 : i32
      "tpu.region"() ({
        %run_scoped3A = tpu.sem_alloc : memref<!tpu.dma_semaphore, #tpu.memory_space<semaphore_mem>>
        %dma_start3A_150 = arith.constant 0 : i32
        %dma_start3A_151 = tpu.memref_slice %arg5[%add3A_116, %dma_start3A_150] : memref<327680x64xf32, #tpu.memory_space<hbm>> -> memref<128x64xf32, #tpu.memory_space<hbm>>
        %dma_start3A_152 = arith.constant 0 : i32
        %dma_start3A_153 = tpu.memref_slice %arg5[%add3A_116, %dma_start3A_152] : memref<327680x64xf32, #tpu.memory_space<hbm>> -> memref<128x64xf32, #tpu.memory_space<hbm>>
        tpu.enqueue_dma source(%arg12 : memref<128x64xf32, #tpu.memory_space<vmem>>) target(%dma_start3A_153 : memref<128x64xf32, #tpu.memory_space<hbm>>) target_semaphore(%run_scoped3A : memref<!tpu.dma_semaphore, #tpu.memory_space<semaphore_mem>>)
        %dma_wait3A_154 = arith.constant 0 : i32
        %dma_wait3A_155 = tpu.memref_slice %arg5[%add3A_116, %dma_wait3A_154] : memref<327680x64xf32, #tpu.memory_space<hbm>> -> memref<128x64xf32, #tpu.memory_space<hbm>>
        %dma_wait3A_156 = arith.constant 0 : i32
        %dma_wait3A_157 = tpu.memref_slice %arg5[%add3A_116, %dma_wait3A_156] : memref<327680x64xf32, #tpu.memory_space<hbm>> -> memref<128x64xf32, #tpu.memory_space<hbm>>
        tpu.wait_dma2 semaphore(%run_scoped3A : memref<!tpu.dma_semaphore, #tpu.memory_space<semaphore_mem>>) src(%arg12 : memref<128x64xf32, #tpu.memory_space<vmem>>) dst(%dma_wait3A_157 : memref<128x64xf32, #tpu.memory_space<hbm>>)
        tpu.yield
      }) : () -> ()
      %add3A_117 = arith.constant 4 : i32
      %add3A_118 = arith.addi %add3A_101, %add3A_117 : i32
      %lt3A_119 = arith.constant 80 : i32
      %lt3A_120 = arith.cmpi slt, %add3A_118, %lt3A_119 : i32
      %convert_element_type3A_121 = arith.extui %lt3A_120 : i1 to i32
      %cond3A_122 = arith.constant 0 : i32
      %cond3A_123 = arith.cmpi ne, %convert_element_type3A_121, %cond3A_122 : i32
      scf.if %cond3A_123 {
        %add3A_150 = arith.constant 4 : i32
        %add3A_151 = arith.addi %add3A_101, %add3A_150 : i32
        %mul3A_152 = arith.constant 128 : i32
        %mul3A_153 = arith.muli %add3A_151, %mul3A_152 : i32
        %add3A_154 = arith.addi %mul3A_2, %mul3A_153 : i32
        %dma_start3A_155 = tpu.memref_slice %arg2[%add3A_154] : memref<327680xi32, #tpu.memory_space<hbm>> -> memref<128xi32, #tpu.memory_space<hbm>>
        %dma_start3A_156 = tpu.memref_slice %arg2[%add3A_154] : memref<327680xi32, #tpu.memory_space<hbm>> -> memref<128xi32, #tpu.memory_space<hbm>>
        tpu.enqueue_dma source(%dma_start3A_156 : memref<128xi32, #tpu.memory_space<hbm>>) target(%arg8 : memref<128xi32, #tpu.memory_space<vmem>>) target_semaphore(%arg21 : memref<!tpu.dma_semaphore, #tpu.memory_space<semaphore_mem>>)
        %dma_wait3A_157 = tpu.memref_slice %arg2[%add3A_154] : memref<327680xi32, #tpu.memory_space<hbm>> -> memref<128xi32, #tpu.memory_space<hbm>>
        %dma_wait3A_158 = tpu.memref_slice %arg2[%add3A_154] : memref<327680xi32, #tpu.memory_space<hbm>> -> memref<128xi32, #tpu.memory_space<hbm>>
        tpu.wait_dma2 semaphore(%arg21 : memref<!tpu.dma_semaphore, #tpu.memory_space<semaphore_mem>>) src(%dma_wait3A_158 : memref<128xi32, #tpu.memory_space<hbm>>) dst(%arg8 : memref<128xi32, #tpu.memory_space<vmem>>)
        %dma_start3A_159 = arith.constant 0 : i32
        %dma_start3A_160 = arith.constant 0 : i32
        %dma_start3A_161 = tpu.memref_slice %arg3[%dma_start3A_159, %dma_start3A_160] : memref<1000000x64xf32, #tpu.memory_space<hbm>> -> memref<1000000x64xf32, #tpu.memory_space<hbm>>
        tpu.enqueue_indirect_dma source(%dma_start3A_161 : memref<1000000x64xf32, #tpu.memory_space<hbm>>) target(%arg12 : memref<128x64xf32, #tpu.memory_space<vmem>>) offsets(%arg8 : memref<128xi32, #tpu.memory_space<vmem>>) semaphore(%arg21 : memref<!tpu.dma_semaphore, #tpu.memory_space<semaphore_mem>>)
        %dma_start3A_162 = arith.constant 0 : i32
        %dma_start3A_163 = arith.constant 0 : i32
        %dma_start3A_164 = tpu.memref_slice %arg4[%dma_start3A_162, %dma_start3A_163] : memref<1000000x64xf32, #tpu.memory_space<hbm>> -> memref<1000000x64xf32, #tpu.memory_space<hbm>>
        tpu.enqueue_indirect_dma source(%dma_start3A_164 : memref<1000000x64xf32, #tpu.memory_space<hbm>>) target(%arg16 : memref<128x64xf32, #tpu.memory_space<vmem>>) offsets(%arg8 : memref<128xi32, #tpu.memory_space<vmem>>) semaphore(%arg25 : memref<!tpu.dma_semaphore, #tpu.memory_space<semaphore_mem>>)
      } else {
      }
      %mul3A_124 = arith.constant 4 : i32
      %mul3A_125 = arith.muli %scan3A_48, %mul3A_124 : i32
      %add3A_126 = arith.constant 3 : i32
      %add3A_127 = arith.addi %mul3A_125, %add3A_126 : i32
      %dma_wait3A_128 = arith.constant 0 : i32
      %dma_wait3A_129 = arith.constant 0 : i32
      %dma_wait3A_130 = tpu.memref_slice %arg3[%dma_wait3A_128, %dma_wait3A_129] : memref<1000000x64xf32, #tpu.memory_space<hbm>> -> memref<1000000x64xf32, #tpu.memory_space<hbm>>
      tpu.wait_indirect_dma semaphore(%arg22 : memref<!tpu.dma_semaphore, #tpu.memory_space<semaphore_mem>>) src(%dma_wait3A_130 : memref<1000000x64xf32, #tpu.memory_space<hbm>>) dst(%arg13 : memref<128x64xf32, #tpu.memory_space<vmem>>)
      %dma_wait3A_131 = arith.constant 0 : i32
      %dma_wait3A_132 = arith.constant 0 : i32
      %dma_wait3A_133 = tpu.memref_slice %arg4[%dma_wait3A_131, %dma_wait3A_132] : memref<1000000x64xf32, #tpu.memory_space<hbm>> -> memref<1000000x64xf32, #tpu.memory_space<hbm>>
      tpu.wait_indirect_dma semaphore(%arg26 : memref<!tpu.dma_semaphore, #tpu.memory_space<semaphore_mem>>) src(%dma_wait3A_133 : memref<1000000x64xf32, #tpu.memory_space<hbm>>) dst(%arg17 : memref<128x64xf32, #tpu.memory_space<vmem>>)
      %scan3A_134 = arith.constant 0 : i32
      %scan3A_135 = arith.constant 0 : i32
      %scan3A_136 = arith.constant 128 : i32
      %scan3A_137 = arith.addi %scan3A_135, %scan3A_136 : i32
      %scan3A_138 = arith.constant 1 : i32
      scf.for %scan3A_150 = %scan3A_135 to %scan3A_137 step %scan3A_138  : i32 {
        %get3A = arith.index_cast %scan3A_150 : i32 to index
        %get3A_151 = arith.constant 0 : index
        %get3A_152 = tpu.vector_load %arg13[%get3A, %get3A_151] {strides = array<i32>} : memref<128x64xf32, #tpu.memory_space<vmem>>, vector<1x16xf32>,
        %get3A_153 = vector.shape_cast %get3A_152 : vector<1x16xf32> to vector<16xf32>
        %get3A_154 = arith.index_cast %scan3A_150 : i32 to index
        %get3A_155 = arith.constant 0 : index
        %get3A_156 = tpu.vector_load %arg17[%get3A_154, %get3A_155] {strides = array<i32>} : memref<128x64xf32, #tpu.memory_space<vmem>>, vector<1x16xf32>,
        %get3A_157 = vector.shape_cast %get3A_156 : vector<1x16xf32> to vector<16xf32>
        %neg3A = arith.constant 0.000000e+00 : f32
        %neg3A_158 = vector.broadcast %neg3A : f32 to vector<16xf32>
        %neg3A_159 = arith.subf %neg3A_158, %get3A_157 : vector<16xf32>
        %exp3A = math.exp %neg3A_159 : vector<16xf32>
        %add3A_160 = arith.constant 1.000000e+00 : f32
        %add3A_161 = vector.broadcast %add3A_160 : f32 to vector<16xf32>
        %add3A_162 = arith.addf %add3A_161, %exp3A : vector<16xf32>
        %div3A = arith.constant 1.000000e+00 : f32
        %div3A_163 = vector.broadcast %div3A : f32 to vector<16xf32>
        %div3A_164 = arith.divf %div3A_163, %add3A_162 : vector<16xf32>
        %neg3A_165 = arith.constant 0.000000e+00 : f32
        %neg3A_166 = vector.broadcast %neg3A_165 : f32 to vector<16xf32>
        %neg3A_167 = arith.subf %neg3A_166, %div3A_164 : vector<16xf32>
        %max3A = arith.maximumf %get3A_153, %neg3A_167 : vector<16xf32>
        %min3A = arith.minimumf %max3A, %div3A_164 : vector<16xf32>
        %sub3A = arith.subf %get3A_153, %min3A : vector<16xf32>
        %swap3A = arith.index_cast %scan3A_150 : i32 to index
        %swap3A_168 = arith.constant 0 : index
        %swap3A_169 = tpu.vector_load %arg13[%swap3A, %swap3A_168] {strides = array<i32>} : memref<128x64xf32, #tpu.memory_space<vmem>>, vector<1x16xf32>,
        %swap3A_170 = vector.shape_cast %swap3A_169 : vector<1x16xf32> to vector<16xf32>
        %swap3A_171 = vector.shape_cast %sub3A : vector<16xf32> to vector<1x16xf32>
        tpu.vector_store %arg13[%swap3A, %swap3A_168], %swap3A_171 {strides = array<i32>} : memref<128x64xf32, #tpu.memory_space<vmem>>, vector<1x16xf32>,
        %get3A_172 = arith.index_cast %scan3A_150 : i32 to index
        %get3A_173 = arith.constant 16 : index
        %get3A_174 = tpu.vector_load %arg13[%get3A_172, %get3A_173] {strides = array<i32>} : memref<128x64xf32, #tpu.memory_space<vmem>>, vector<1x16xf32>,
        %get3A_175 = vector.shape_cast %get3A_174 : vector<1x16xf32> to vector<16xf32>
        %get3A_176 = arith.index_cast %scan3A_150 : i32 to index
        %get3A_177 = arith.constant 16 : index
        %get3A_178 = tpu.vector_load %arg17[%get3A_176, %get3A_177] {strides = array<i32>} : memref<128x64xf32, #tpu.memory_space<vmem>>, vector<1x16xf32>,
        %get3A_179 = vector.shape_cast %get3A_178 : vector<1x16xf32> to vector<16xf32>
        %neg3A_180 = arith.constant 0.000000e+00 : f32
        %neg3A_181 = vector.broadcast %neg3A_180 : f32 to vector<16xf32>
        %neg3A_182 = arith.subf %neg3A_181, %get3A_179 : vector<16xf32>
        %exp3A_183 = math.exp %neg3A_182 : vector<16xf32>
        %add3A_184 = arith.constant 1.000000e+00 : f32
        %add3A_185 = vector.broadcast %add3A_184 : f32 to vector<16xf32>
        %add3A_186 = arith.addf %add3A_185, %exp3A_183 : vector<16xf32>
        %div3A_187 = arith.constant 1.000000e+00 : f32
        %div3A_188 = vector.broadcast %div3A_187 : f32 to vector<16xf32>
        %div3A_189 = arith.divf %div3A_188, %add3A_186 : vector<16xf32>
        %neg3A_190 = arith.constant 0.000000e+00 : f32
        %neg3A_191 = vector.broadcast %neg3A_190 : f32 to vector<16xf32>
        %neg3A_192 = arith.subf %neg3A_191, %div3A_189 : vector<16xf32>
        %max3A_193 = arith.maximumf %get3A_175, %neg3A_192 : vector<16xf32>
        %min3A_194 = arith.minimumf %max3A_193, %div3A_189 : vector<16xf32>
        %sub3A_195 = arith.subf %get3A_175, %min3A_194 : vector<16xf32>
        %swap3A_196 = arith.index_cast %scan3A_150 : i32 to index
        %swap3A_197 = arith.constant 16 : index
        %swap3A_198 = tpu.vector_load %arg13[%swap3A_196, %swap3A_197] {strides = array<i32>} : memref<128x64xf32, #tpu.memory_space<vmem>>, vector<1x16xf32>,
        %swap3A_199 = vector.shape_cast %swap3A_198 : vector<1x16xf32> to vector<16xf32>
        %swap3A_200 = vector.shape_cast %sub3A_195 : vector<16xf32> to vector<1x16xf32>
        tpu.vector_store %arg13[%swap3A_196, %swap3A_197], %swap3A_200 {strides = array<i32>} : memref<128x64xf32, #tpu.memory_space<vmem>>, vector<1x16xf32>,
        %get3A_201 = arith.index_cast %scan3A_150 : i32 to index
        %get3A_202 = arith.constant 32 : index
        %get3A_203 = tpu.vector_load %arg13[%get3A_201, %get3A_202] {strides = array<i32>} : memref<128x64xf32, #tpu.memory_space<vmem>>, vector<1x16xf32>,
        %get3A_204 = vector.shape_cast %get3A_203 : vector<1x16xf32> to vector<16xf32>
        %get3A_205 = arith.index_cast %scan3A_150 : i32 to index
        %get3A_206 = arith.constant 32 : index
        %get3A_207 = tpu.vector_load %arg17[%get3A_205, %get3A_206] {strides = array<i32>} : memref<128x64xf32, #tpu.memory_space<vmem>>, vector<1x16xf32>,
        %get3A_208 = vector.shape_cast %get3A_207 : vector<1x16xf32> to vector<16xf32>
        %neg3A_209 = arith.constant 0.000000e+00 : f32
        %neg3A_210 = vector.broadcast %neg3A_209 : f32 to vector<16xf32>
        %neg3A_211 = arith.subf %neg3A_210, %get3A_208 : vector<16xf32>
        %exp3A_212 = math.exp %neg3A_211 : vector<16xf32>
        %add3A_213 = arith.constant 1.000000e+00 : f32
        %add3A_214 = vector.broadcast %add3A_213 : f32 to vector<16xf32>
        %add3A_215 = arith.addf %add3A_214, %exp3A_212 : vector<16xf32>
        %div3A_216 = arith.constant 1.000000e+00 : f32
        %div3A_217 = vector.broadcast %div3A_216 : f32 to vector<16xf32>
        %div3A_218 = arith.divf %div3A_217, %add3A_215 : vector<16xf32>
        %neg3A_219 = arith.constant 0.000000e+00 : f32
        %neg3A_220 = vector.broadcast %neg3A_219 : f32 to vector<16xf32>
        %neg3A_221 = arith.subf %neg3A_220, %div3A_218 : vector<16xf32>
        %max3A_222 = arith.maximumf %get3A_204, %neg3A_221 : vector<16xf32>
        %min3A_223 = arith.minimumf %max3A_222, %div3A_218 : vector<16xf32>
        %sub3A_224 = arith.subf %get3A_204, %min3A_223 : vector<16xf32>
        %swap3A_225 = arith.index_cast %scan3A_150 : i32 to index
        %swap3A_226 = arith.constant 32 : index
        %swap3A_227 = tpu.vector_load %arg13[%swap3A_225, %swap3A_226] {strides = array<i32>} : memref<128x64xf32, #tpu.memory_space<vmem>>, vector<1x16xf32>,
        %swap3A_228 = vector.shape_cast %swap3A_227 : vector<1x16xf32> to vector<16xf32>
        %swap3A_229 = vector.shape_cast %sub3A_224 : vector<16xf32> to vector<1x16xf32>
        tpu.vector_store %arg13[%swap3A_225, %swap3A_226], %swap3A_229 {strides = array<i32>} : memref<128x64xf32, #tpu.memory_space<vmem>>, vector<1x16xf32>,
        %get3A_230 = arith.index_cast %scan3A_150 : i32 to index
        %get3A_231 = arith.constant 48 : index
        %get3A_232 = tpu.vector_load %arg13[%get3A_230, %get3A_231] {strides = array<i32>} : memref<128x64xf32, #tpu.memory_space<vmem>>, vector<1x16xf32>,
        %get3A_233 = vector.shape_cast %get3A_232 : vector<1x16xf32> to vector<16xf32>
        %get3A_234 = arith.index_cast %scan3A_150 : i32 to index
        %get3A_235 = arith.constant 48 : index
        %get3A_236 = tpu.vector_load %arg17[%get3A_234, %get3A_235] {strides = array<i32>} : memref<128x64xf32, #tpu.memory_space<vmem>>, vector<1x16xf32>,
        %get3A_237 = vector.shape_cast %get3A_236 : vector<1x16xf32> to vector<16xf32>
        %neg3A_238 = arith.constant 0.000000e+00 : f32
        %neg3A_239 = vector.broadcast %neg3A_238 : f32 to vector<16xf32>
        %neg3A_240 = arith.subf %neg3A_239, %get3A_237 : vector<16xf32>
        %exp3A_241 = math.exp %neg3A_240 : vector<16xf32>
        %add3A_242 = arith.constant 1.000000e+00 : f32
        %add3A_243 = vector.broadcast %add3A_242 : f32 to vector<16xf32>
        %add3A_244 = arith.addf %add3A_243, %exp3A_241 : vector<16xf32>
        %div3A_245 = arith.constant 1.000000e+00 : f32
        %div3A_246 = vector.broadcast %div3A_245 : f32 to vector<16xf32>
        %div3A_247 = arith.divf %div3A_246, %add3A_244 : vector<16xf32>
        %neg3A_248 = arith.constant 0.000000e+00 : f32
        %neg3A_249 = vector.broadcast %neg3A_248 : f32 to vector<16xf32>
        %neg3A_250 = arith.subf %neg3A_249, %div3A_247 : vector<16xf32>
        %max3A_251 = arith.maximumf %get3A_233, %neg3A_250 : vector<16xf32>
        %min3A_252 = arith.minimumf %max3A_251, %div3A_247 : vector<16xf32>
        %sub3A_253 = arith.subf %get3A_233, %min3A_252 : vector<16xf32>
        %swap3A_254 = arith.index_cast %scan3A_150 : i32 to index
        %swap3A_255 = arith.constant 48 : index
        %swap3A_256 = tpu.vector_load %arg13[%swap3A_254, %swap3A_255] {strides = array<i32>} : memref<128x64xf32, #tpu.memory_space<vmem>>, vector<1x16xf32>,
        %swap3A_257 = vector.shape_cast %swap3A_256 : vector<1x16xf32> to vector<16xf32>
        %swap3A_258 = vector.shape_cast %sub3A_253 : vector<16xf32> to vector<1x16xf32>
        tpu.vector_store %arg13[%swap3A_254, %swap3A_255], %swap3A_258 {strides = array<i32>} : memref<128x64xf32, #tpu.memory_space<vmem>>, vector<1x16xf32>,
      }
      %scan3A_139 = arith.constant 128 : i32
      %mul3A_140 = arith.constant 128 : i32
      %mul3A_141 = arith.muli %add3A_127, %mul3A_140 : i32
      %add3A_142 = arith.addi %mul3A_2, %mul3A_141 : i32
      "tpu.region"() ({
        %run_scoped3A = tpu.sem_alloc : memref<!tpu.dma_semaphore, #tpu.memory_space<semaphore_mem>>
        %dma_start3A_150 = arith.constant 0 : i32
        %dma_start3A_151 = tpu.memref_slice %arg5[%add3A_142, %dma_start3A_150] : memref<327680x64xf32, #tpu.memory_space<hbm>> -> memref<128x64xf32, #tpu.memory_space<hbm>>
        %dma_start3A_152 = arith.constant 0 : i32
        %dma_start3A_153 = tpu.memref_slice %arg5[%add3A_142, %dma_start3A_152] : memref<327680x64xf32, #tpu.memory_space<hbm>> -> memref<128x64xf32, #tpu.memory_space<hbm>>
        tpu.enqueue_dma source(%arg13 : memref<128x64xf32, #tpu.memory_space<vmem>>) target(%dma_start3A_153 : memref<128x64xf32, #tpu.memory_space<hbm>>) target_semaphore(%run_scoped3A : memref<!tpu.dma_semaphore, #tpu.memory_space<semaphore_mem>>)
        %dma_wait3A_154 = arith.constant 0 : i32
        %dma_wait3A_155 = tpu.memref_slice %arg5[%add3A_142, %dma_wait3A_154] : memref<327680x64xf32, #tpu.memory_space<hbm>> -> memref<128x64xf32, #tpu.memory_space<hbm>>
        %dma_wait3A_156 = arith.constant 0 : i32
        %dma_wait3A_157 = tpu.memref_slice %arg5[%add3A_142, %dma_wait3A_156] : memref<327680x64xf32, #tpu.memory_space<hbm>> -> memref<128x64xf32, #tpu.memory_space<hbm>>
        tpu.wait_dma2 semaphore(%run_scoped3A : memref<!tpu.dma_semaphore, #tpu.memory_space<semaphore_mem>>) src(%arg13 : memref<128x64xf32, #tpu.memory_space<vmem>>) dst(%dma_wait3A_157 : memref<128x64xf32, #tpu.memory_space<hbm>>)
        tpu.yield
      }) : () -> ()
      %add3A_143 = arith.constant 4 : i32
      %add3A_144 = arith.addi %add3A_127, %add3A_143 : i32
      %lt3A_145 = arith.constant 80 : i32
      %lt3A_146 = arith.cmpi slt, %add3A_144, %lt3A_145 : i32
      %convert_element_type3A_147 = arith.extui %lt3A_146 : i1 to i32
      %cond3A_148 = arith.constant 0 : i32
      %cond3A_149 = arith.cmpi ne, %convert_element_type3A_147, %cond3A_148 : i32
      scf.if %cond3A_149 {
        %add3A_150 = arith.constant 4 : i32
        %add3A_151 = arith.addi %add3A_127, %add3A_150 : i32
        %mul3A_152 = arith.constant 128 : i32
        %mul3A_153 = arith.muli %add3A_151, %mul3A_152 : i32
        %add3A_154 = arith.addi %mul3A_2, %mul3A_153 : i32
        %dma_start3A_155 = tpu.memref_slice %arg2[%add3A_154] : memref<327680xi32, #tpu.memory_space<hbm>> -> memref<128xi32, #tpu.memory_space<hbm>>
        %dma_start3A_156 = tpu.memref_slice %arg2[%add3A_154] : memref<327680xi32, #tpu.memory_space<hbm>> -> memref<128xi32, #tpu.memory_space<hbm>>
        tpu.enqueue_dma source(%dma_start3A_156 : memref<128xi32, #tpu.memory_space<hbm>>) target(%arg9 : memref<128xi32, #tpu.memory_space<vmem>>) target_semaphore(%arg22 : memref<!tpu.dma_semaphore, #tpu.memory_space<semaphore_mem>>)
        %dma_wait3A_157 = tpu.memref_slice %arg2[%add3A_154] : memref<327680xi32, #tpu.memory_space<hbm>> -> memref<128xi32, #tpu.memory_space<hbm>>
        %dma_wait3A_158 = tpu.memref_slice %arg2[%add3A_154] : memref<327680xi32, #tpu.memory_space<hbm>> -> memref<128xi32, #tpu.memory_space<hbm>>
        tpu.wait_dma2 semaphore(%arg22 : memref<!tpu.dma_semaphore, #tpu.memory_space<semaphore_mem>>) src(%dma_wait3A_158 : memref<128xi32, #tpu.memory_space<hbm>>) dst(%arg9 : memref<128xi32, #tpu.memory_space<vmem>>)
        %dma_start3A_159 = arith.constant 0 : i32
        %dma_start3A_160 = arith.constant 0 : i32
        %dma_start3A_161 = tpu.memref_slice %arg3[%dma_start3A_159, %dma_start3A_160] : memref<1000000x64xf32, #tpu.memory_space<hbm>> -> memref<1000000x64xf32, #tpu.memory_space<hbm>>
        tpu.enqueue_indirect_dma source(%dma_start3A_161 : memref<1000000x64xf32, #tpu.memory_space<hbm>>) target(%arg13 : memref<128x64xf32, #tpu.memory_space<vmem>>) offsets(%arg9 : memref<128xi32, #tpu.memory_space<vmem>>) semaphore(%arg22 : memref<!tpu.dma_semaphore, #tpu.memory_space<semaphore_mem>>)
        %dma_start3A_162 = arith.constant 0 : i32
        %dma_start3A_163 = arith.constant 0 : i32
        %dma_start3A_164 = tpu.memref_slice %arg4[%dma_start3A_162, %dma_start3A_163] : memref<1000000x64xf32, #tpu.memory_space<hbm>> -> memref<1000000x64xf32, #tpu.memory_space<hbm>>
        tpu.enqueue_indirect_dma source(%dma_start3A_164 : memref<1000000x64xf32, #tpu.memory_space<hbm>>) target(%arg17 : memref<128x64xf32, #tpu.memory_space<vmem>>) offsets(%arg9 : memref<128xi32, #tpu.memory_space<vmem>>) semaphore(%arg26 : memref<!tpu.dma_semaphore, #tpu.memory_space<semaphore_mem>>)
      } else {
      }
    }
    %scan3A_47 = arith.constant 20 : i32
    return
  }
}

</mosaic_0001>

<sc_bundles>
// kernel: kernel.3.cloned.1.call-start
scs
__scs_entry_jumppad:
0x0: {  	(pc) =	sbr.rel $0x88, $3  }
0x1: {  	(tag) =	ssettag $0x0;
	lr =	simm.s32 $0x1  }
0x2: {  	[smem:$0x3F9E] =	sst lr;
	_ =	strace $0xD0000000  }
0x3: {  	_ = 	snop  }
0x4: {  	_ = 	snop  }
0x5: {  	_ = 	snop  }
0x6: {  	_ = 	snop  }
0x7: {  	_ = 	snop  }
__scs_overlays_trampoline_lowered:
0x8: {  	[smem:$0x3FAD] =	sst s0  }
0x9: {  	[smem:$0x3FAE] =	sst s1  }
0xa: {  	[smem:$0x3FAF] =	sst s2  }
0xb: {  	[smem:$0x3FB0] =	sst s3  }
0xc: {  	[smem:$0x3FB1] =	sst s4  }
0xd: {  	[smem:$0x3FB2] =	sst s5  }
0xe: {  	[smem:$0x3FB3] =	sst s6  }
0xf: {  	[smem:$0x3FB4] =	sst s7  }
0x10: {  	[smem:$0x3FB5] =	sst s8  }
0x11: {  	[smem:$0x3FB6] =	sst s9;
	s0 =	simm.s32 @!p0 $0x0  }
0x12: {  	s1 =	sld [smem:$0x3F9C];
	s0 =	simm.s32 @p0 $0x1  }
0x13: {  	[smem:$0x3FB7] =	sst s0;
	s0 =	simm.s32 @!p1 $0x0  }
0x14: {  	s2 =	sld [smem:$0x3F9B];
	s0 =	simm.s32 @p1 $0x1  }
0x15: {  	[smem:$0x3FB8] =	sst s0;
	s0 =	simm.s32 @!p2 $0x0  }
0x16: {  	s3 =	sld [smem:$0x3FDB];
	s0 =	simm.s32 @p2 $0x1  }
0x17: {  	s4 =	simm.s32 $0x1BF5;
	[smem:$0x3FBA] =	sst s0  }
0x18: {  	s0 =	sld [smem:$0x3F9D];
	_ =	swait.ge [sflag:s4], $0x0  }
0x19: {  	s7 =	sld [smem:$0x3F9E]  }
0x1a: {  	s8 =	sadd.s32 $0xFFFFE003, lr  }
0x1b: {  	s9 =	sadd.s32 $0xFFFFFEF7, lr;
	s5 =	simm.s32 $0xFFFFFFFF;
	p2 =	slt.u32 s8, $0xFFFFF086  }
0x1c: {  	p1 =	slt.u32 s9, $0xF7A;
	s5 =	simm.s32 @!p2 $0x0  }
0x1d: {  	s5 =	simm.s32 @p1 $0x1;
	p0 =	seq.s32 s7, s2  }
0x1e: {  	s7 =	smul.u32 @!p0 $0xF7A, s2;
	p2 =	seq.s32 @!p0 s5, $0x0  }
0x1f: {  	s9 =	smul.u32 $0xF7A, s1;
	s8 =	simm.s32 @!p0 $0x1BF5;
	p2 =	por !p2, p0  }
0x20: {  	[sflag:s8] =	ssyncset.s32 @!p0 $0xFFFFF086;
	s6 =	sadd.s32 @!p0 s3, s7;
	s7 =	simm.s32 @!p0 $0x108  }
0x21: {  	s3 =	sadd.s32 s3, s9;
	s6 =	sadd.s32 @!p0 $0x88, s6;
	s7 =	simm.s32 @p2 $0x1082  }
0x22: {  	[simem:s7], [sflag:s8] =	dma.local @!p0 [hbm:s6], $0xF7A  }
0x23: {  	s9 =	sor.u32 $0xD0000000, s2;
	s6 =	simm.s32 $0x108;
	_ =	swait.ge @!p0 [sflag:s8], $0x0  }
0x24: {  	s3 =	sadd.s32 $0x88, s3;
	s6 =	simm.s32 @!p1 $0x1082;
	[sflag:s4] =	ssyncset.s32 $0xFFFFF086  }
0x25: {  	[simem:s6], [sflag:s4] =	dma.local [hbm:s3], $0xF7A  }
0x26: {  	[smem:$0x3F9E] =	sst s1;
	(tag) =	ssettag s2;
	_ =	strace s9  }
0x27: {  	s1 =	sld [smem:$0x3FAE]  }
0x28: {  	s2 =	sld [smem:$0x3FAF]  }
0x29: {  	s4 =	sld [smem:$0x3FB1]  }
0x2a: {  	p0 =	seq.s32 s5, $0x0;
	s5 =	sld [smem:$0x3FB2]  }
0x2b: {  	s6 =	sld [smem:$0x3FB3]  }
0x2c: {  	s7 =	sld [smem:$0x3FB4]  }
0x2d: {  	s3 =	simm.s32 $0x108;
	s8 =	sld [smem:$0x3FB5]  }
0x2e: {  	s3 =	simm.s32 @!p0 $0x1082;
	s9 =	sld [smem:$0x3FB6]  }
0x2f: {  	lr =	sadd.s32 s0, s3;
	s0 =	sld [smem:$0x3FAD]  }
0x30: {  	s3 =	sld [smem:$0x3FB0]  }
0x31: {  	[smem:$0x3FB9] =	sst s10  }
0x32: {  	s10 =	sld [smem:$0x3FB7];
	_ =	sdelay $0x3  }
0x33: {  	p0 =	seq.s32 s10, $0x1;
	s10 =	sld [smem:$0x3FB9];
	_ =	sdelay $0x3  }
0x34: {  	[smem:$0x3FB9] =	sst s10  }
0x35: {  	s10 =	sld [smem:$0x3FB8];
	_ =	sdelay $0x3  }
0x36: {  	p1 =	seq.s32 s10, $0x1;
	s10 =	sld [smem:$0x3FB9];
	_ =	sdelay $0x3  }
0x37: {  	[smem:$0x3FB9] =	sst s10  }
0x38: {  	s10 =	sld [smem:$0x3FBA]  }
0x39: {  	_ = 	snop;
	(pc) =	sbr.ind lr, $3  }
0x3a: {  	_ = 	snop  }
0x3b: {  	_ = 	snop  }
0x3c: {  	p2 =	seq.s32 s10, $0x1;
	s10 =	sld [smem:$0x3FB9]  }
0x3d: {  	_ =	shalt  }
0x3e: {  	_ =	shalt  }
0x3f: {  	_ =	shalt  }
0x40: {  	_ =	shalt  }
0x41: {  	_ =	shalt  }
0x42: {  	_ =	shalt  }
0x43: {  	_ =	shalt  }
0x44: {  	_ =	shalt  }
0x45: {  	_ =	shalt  }
0x46: {  	_ =	shalt  }
0x47: {  	_ =	shalt  }
0x48: {  	_ =	shalt  }
0x49: {  	_ =	shalt  }
0x4a: {  	_ =	shalt  }
0x4b: {  	_ =	shalt  }
0x4c: {  	_ =	shalt  }
0x4d: {  	_ =	shalt  }
0x4e: {  	_ =	shalt  }
0x4f: {  	_ =	shalt  }
0x50: {  	_ =	shalt  }
0x51: {  	_ =	shalt  }
0x52: {  	_ =	shalt  }
0x53: {  	_ =	shalt  }
0x54: {  	_ =	shalt  }
0x55: {  	_ =	shalt  }
0x56: {  	_ =	shalt  }
0x57: {  	_ =	shalt  }
0x58: {  	_ =	shalt  }
0x59: {  	_ =	shalt  }
0x5a: {  	_ =	shalt  }
0x5b: {  	_ =	shalt  }
0x5c: {  	_ =	shalt  }
0x5d: {  	_ =	shalt  }
0x5e: {  	_ =	shalt  }
0x5f: {  	_ =	shalt  }
0x60: {  	_ =	shalt  }
0x61: {  	_ =	shalt  }
0x62: {  	_ =	shalt  }
0x63: {  	_ =	shalt  }
0x64: {  	_ =	shalt  }
0x65: {  	_ =	shalt  }
0x66: {  	_ =	shalt  }
0x67: {  	_ =	shalt  }
0x68: {  	_ =	shalt  }
0x69: {  	_ =	shalt  }
0x6a: {  	_ =	shalt  }
0x6b: {  	_ =	shalt  }
0x6c: {  	_ =	shalt  }
0x6d: {  	_ =	shalt  }
0x6e: {  	_ =	shalt  }
0x6f: {  	_ =	shalt  }
0x70: {  	_ =	shalt  }
0x71: {  	_ =	shalt  }
0x72: {  	_ =	shalt  }
0x73: {  	_ =	shalt  }
0x74: {  	_ =	shalt  }
0x75: {  	_ =	shalt  }
0x76: {  	_ =	shalt  }
0x77: {  	_ =	shalt  }
0x78: {  	_ =	shalt  }
0x79: {  	_ =	shalt  }
0x7a: {  	_ =	shalt  }
0x7b: {  	_ =	shalt  }
0x7c: {  	_ =	shalt  }
0x7d: {  	_ =	shalt  }
0x7e: {  	_ =	shalt  }
0x7f: {  	_ =	shalt  }
0x80: {  	_ =	shalt  }
0x81: {  	_ =	shalt  }
0x82: {  	_ =	shalt  }
0x83: {  	_ =	shalt  }
0x84: {  	_ =	shalt  }
0x85: {  	_ =	shalt  }
0x86: {  	_ =	shalt  }
0x87: {  	_ =	shalt  }
.Lfunc_end0:
.L_simem_size_0:
called_computation.1_lowered:
.L_overlay_start_0:
0x88: {  	s2 =	sld [smem:$0x3FD9]  }
0x89: {  	s3 =	sld [smem:$0x3FFE];
	_ =	sdelay $0x1  }
0x8a: {  	s1 =	srdreg.scid  }
0x8b: {  	s0 =	sand.u32 $0x1, s1  }
0x8c: {  	s17 =	sshll.u32 s0, $0xA;
	s2 =	sadd.s32 s3, s2  }
0x8d: {  	s2 =	sadd.s32 s2, s17  }
0x8e: {  	[smem:$0x3FC5] =	sst s2  }
0x8f: {  	_ = 	snop  }
0x90: {  	s2 =	sld [smem:$0x3FD0];
	(tm) =	ssettm $0x1  }
0x91: {  	s18 =	sld [smem:$0x3FFB];
	_ =	sdelay $0x3  }
0x92: {  	_ =	strace s18  }
0x93: {  	s3 =	sld [smem:$0x3FFC];
	_ =	sdelay $0x3  }
0x94: {  	_ =	strace s3  }
0x95: {  	s3 =	sld [smem:$0x3FFD];
	_ =	sdelay $0x3  }
0x96: {  	_ =	strace s3  }
0x97: {  	_ =	strace $0x8FFFFFFF  }
0x98: {  	s19 =	sld [smem:$0x3FDB];
	_ =	sdelay $0x1  }
0x99: {  	s4 =	simm.s32 $_scs_section_size  }
0x9a: {  	s5 =	simm.s32 $_size__tile_overlayer_lowered;
	s6 =	simm.s32 $_tile_overlayer_lowered  }
0x9b: {  	s22 =	simm.s32 $0x1BFF;
	s21 =	sshll.u32 s6, $0x1;
	s3 =	sadd.s32 s4, s19  }
0x9c: {  	s7 =	simm.s32 $0x0;
	s20 =	sshll.u32 s5, $0x1;
	s5 =	sadd.s32 s21, s3  }
0x9d: {  	[timem:s7], [sflag:s22] =	dma.local [hbm:s5], s20  }
0x9e: {  	_ =	swait.ge [sflag:s22], s20  }
0x9f: {  	s4 =	ssub.s32 $0x0, s20;
	[sflag:s22] =	ssyncset.done $0x0  }
0xa0: {  	[sflag:s22] =	ssyncadd.s32 s4;
	_ =	sdelay $0x1  }
0xa1: {  	s23 =	simm.s32 $0x1B8B  }
0xa2: {  	_ =	swait.ge [sflag:s23], $0x1  }
0xa3: {  	[sflag:s23] =	ssyncset.done $0x0  }
0xa4: {  	s25 =	simm.s32 $0x1B8E;
	s24 =	sld [smem:$0x3FFE];
	[sflag:s23] =	ssyncadd.s32 $0xFFFFFFFF  }
0xa5: {  	s26 =	simm.s32 $execute0_lowered;
	[smem:$0x3FD2] =	sst s25  }
0xa6: {  	s5 =	sshll.u32 s26, $0x1;
	_ =	strace $0x80000046;
	[dreg:$0x1] =	wrdreg $0xFFFFFFFF  }
0xa7: {  	s28 =	simm.s32 $_size_execute0_lowered;
	s3 =	sadd.s32 s3, s5;
	[dreg:$0x0] =	wrdreg $0x0  }
0xa8: {  	s5 =	sshll.u32 s28, $0x1;
	[dreg:$0x2] =	wrdreg s3  }
0xa9: {  	[dreg:$0x3] =	wrdreg s5  }
0xaa: {  	[dreg:$0x4] =	wrdreg $0xC0  }
0xab: {  	_ =	task [dreg:s7], $0x5FFFF  }
0xac: {  	[dreg:$0x1] =	wrdreg $0xFFFFFFFF  }
0xad: {  	[dreg:$0x0] =	wrdreg $0x60  }
0xae: {  	[dreg:$0x2] =	wrdreg s24  }
0xaf: {  	[dreg:$0x3] =	wrdreg s2  }
0xb0: {  	[dreg:$0x4] =	wrdreg $0x9  }
0xb1: {  	_ =	task.clear_ibuf [dreg:s7], $0x5FFFF;
	_ =	strace $0x90000046  }
0xb2: {  	s29 =	simm.s32 $0x9;
	_ =	strace $0x80000048  }
0xb3: {  	_ =	swait.ge [sflag:s29], $0x1  }
0xb4: {  	[sflag:s29] =	ssyncadd.s32 $0xFFFFFFFF  }
0xb5: {  	_ =	strace $0x90000048  }
0xb6: {  	_ =	sfence  }
0xb7: {  	s30 =	sld [smem:$0x0];
	_ =	sdelay $0x2  }
0xb8: {  	s31 =	sshll.u32 s1, $0xD;
	s1 =	sshrl.u32 s1, $0x2  }
0xb9: {  	s3 =	sand.u32 $0x4000, s31;
	s1 =	sadd.s32 s1, s30  }
0xba: {  	s0 =	sor.u32 s3, s0;
	s1 =	sshll.u32 s1, $0x11  }
0xbb: {  	s0 =	sor.u32 s1, s0  }
0xbc: {  	s0 =	sadd.s32 $0x8F2B, s0  }
0xbd: {  	[sflag:s0] =	ssyncadd.remote.s32 $0x1  }
0xbe: {  	_ =	sfence.sel $0xFFFF  }
0xbf: {  	[dreg:$0x0] =	wrdreg $0xFFFFFFFF;
	(pc) =	sbr.abs _section_cstart, $3  }
0xc0: {  	[dreg:$0x1] =	wrdreg $0xFFFFFFFF  }
0xc1: {  	_ =	task.clear_ibuf [dreg:s7], $0x2FFFF;
	_ =	strace $0x9FFFFFFF  }
0xc2: {  	(tm) =	ssettm $0x7FFFFFFF  }
0xc3: {  	_ =	shalt  }
tec
execute0_lowered:
.L_overlay_start_1:
0x0: {  	(tag) =	ssettag $0x1  }
0x1: {  	s0 =	rddreg [dreg:$0x0];
	s1 =	srdreg.scid  }
0x2: {  	s3 =	stileid.u32;
	s2 =	rddreg [dreg:$0x1]  }
0x3: {  	s20 =	simm.s32 $0x9;
	s21 =	simm.s32 $0x80;
	s29 =	simm.s32 $0x3  }
0x4: {  	s31 =	simm.s32 $0x1;
	s19 =	simm.s32 $0x8;
	s11 =	simm.s32 $0x0  }
0x5: {  	s1 =	sand.u32 $0x1, s1;
	s4 =	sshll.u32 s3, $0x1;
	s3 =	simm.s32 $0x0  }
0x6: {  	s5 =	sadd.s32 $0x16E4000, s0;
	s6 =	sadd.s32 $0xF42E00, s0;
	s7 =	sor.u32 s1, s4  }
0x7: {  	[smem:$0x7FF] =	sst s3;
	s1 =	ssub.s32 $0x2, s1;
	s8 =	smul.u32 $0x2800, s7  }
0x8: {  	s4 =	sadd.s32 $0xA00, s0;
	s9 =	sshrl.u32 s1, $0x1;
	s28 =	smul.u32 $0xA0000, s7  }
0x9: {  	_ =	strace $0x80000047;
	s23 =	ssub.s32 s1, s9;
	s9 =	simm.s32 $0x6  }
0xa: {  	s10 =	sshrl.u32 s8, $0x3;
	[dreg:$0x7] =	wrdreg s28;
	s12 =	sor.u32 $0x200, s8  }
0xb: {  	s13 =	sor.u32 $0x80, s8;
	s14 =	sor.u32 $0x280, s8;
	s15 =	sor.u32 $0x100, s8  }
0xc: {  	s16 =	sor.u32 $0x300, s8;
	s17 =	sor.u32 $0x180, s8;
	s30 =	sor.u32 $0x380, s8  }
0xd: {  	s0 =	smax.u32 s23, $0x1;
	s23 =	simm.s32 $0x6200;
	[dreg:$0x8] =	wrdreg s30  }
.Ltmp0:
0xe: {  	s24 =	sadd.s32 s4, s10;
	[dreg:$0x9] =	wrdreg s0;
	(pc) =	sbr.rel .LBB2_1-.Ltmp0, $4  }
0xf: {  	s8 =	simm.s32 $0x5;
	s25 =	sadd.s32 $0x10, s24;
	[dreg:$0x3] =	wrdreg s24  }
0x10: {  	s0 =	simm.s32 $0x4;
	s26 =	sadd.s32 $0x20, s24;
	[dreg:$0x4] =	wrdreg s25  }
0x11: {  	s10 =	simm.s32 $0x7;
	s1 =	sadd.s32 $0x30, s24;
	[dreg:$0x5] =	wrdreg s26  }
0x12: {  	s24 =	simm.s32 $0x2;
	[dreg:$0x6] =	wrdreg s1;
	s1 =	simm.s32 $0x180  }
.LBB2_12:
0x13: {  	s11 =	rddreg [dreg:$0xa]  }
0x14: {  	s7 =	rddreg [dreg:$0x9];
	s11 =	sadd.s32 $0x1, s11  }
0x15: {  	p0 =	sne.s32 s11, s7  }
.Ltmp1:
0x16: {  	_ = 	snop;
	(pc) =	sbr.rel @!p0 .LBB2_13-.Ltmp1, $1  }
0x17: {  	_ =	sdelay $0x3  }
.LBB2_1:
0x18: {  	[dreg:$0xa] =	wrdreg s11  }
0x19: {  	s7 =	rddreg [dreg:$0x3]  }
0x1a: {  	[tilespmem:s3], [sflag:$0x9] =	stream.linear.gather [hbm4b:s7+s3], $0x80, $0x38;
	[tilespmem:$0x10200] =	vst v63  }
0x1b: {  	_ =	swait.ge [sflag:s20], $0x80  }
0x1c: {  	[sflag:s20] =	ssyncset.done $0x0  }
0x1d: {  	s18 =	simm.s32 $0x200;
	[sflag:s20] =	ssyncadd.s32 $0xFFFFFF80  }
0x1e: {  	[tilespmem:s18], [sflag:$0x1] =	stream.indirect.gather [hbm4b:s5+s21], $0x40, s3, s21, $0xb8;
	[tilespmem:$0x10200] =	vst v63  }
0x1f: {  	s22 =	simm.s32 $0x8200  }
0x20: {  	[tilespmem:s22], [sflag:$0x5] =	stream.indirect.gather [hbm4b:s6+s21], $0x40, s3, s21, $0xb8;
	[tilespmem:$0x10200] =	vst v63  }
0x21: {  	s25 =	rddreg [dreg:$0x4]  }
0x22: {  	[tilespmem:s21], [sflag:$0x2] =	stream.linear.gather [hbm4b:s25+s3], $0x80, $0x38;
	[tilespmem:$0x10200] =	vst v63  }
0x23: {  	_ =	swait.ge [sflag:s24], $0x80  }
0x24: {  	[sflag:s24] =	ssyncset.done $0x0  }
0x25: {  	s26 =	simm.s32 $0x2200;
	[sflag:s24] =	ssyncadd.s32 $0xFFFFFF80  }
0x26: {  	[tilespmem:s26], [sflag:$0x2] =	stream.indirect.gather [hbm4b:s5+s21], $0x40, s21, s21, $0xb8;
	[tilespmem:$0x10200] =	vst v63  }
0x27: {  	s30 =	simm.s32 $0xA200  }
0x28: {  	[tilespmem:s30], [sflag:$0x6] =	stream.indirect.gather [hbm4b:s6+s21], $0x40, s21, s21, $0xb8;
	[tilespmem:$0x10200] =	vst v63  }
0x29: {  	s18 =	simm.s32 $0x100;
	s11 =	rddreg [dreg:$0x5]  }
0x2a: {  	[tilespmem:s18], [sflag:$0x3] =	stream.linear.gather [hbm4b:s11+s3], $0x80, $0x38;
	[tilespmem:$0x10200] =	vst v63  }
0x2b: {  	_ =	swait.ge [sflag:s29], $0x80  }
0x2c: {  	[sflag:s29] =	ssyncset.done $0x0  }
0x2d: {  	s22 =	simm.s32 $0x4200;
	[sflag:s29] =	ssyncadd.s32 $0xFFFFFF80  }
0x2e: {  	[tilespmem:s22], [sflag:$0x3] =	stream.indirect.gather [hbm4b:s5+s21], $0x40, s18, s21, $0xb8;
	[tilespmem:$0x10200] =	vst v63  }
0x2f: {  	s25 =	simm.s32 $0xC200  }
0x30: {  	[tilespmem:s25], [sflag:$0x7] =	stream.indirect.gather [hbm4b:s6+s21], $0x40, s18, s21, $0xb8;
	[tilespmem:$0x10200] =	vst v63  }
0x31: {  	s26 =	rddreg [dreg:$0x6]  }
0x32: {  	[tilespmem:s1], [sflag:$0x4] =	stream.linear.gather [hbm4b:s26+s3], $0x80, $0x38;
	[tilespmem:$0x10200] =	vst v63  }
0x33: {  	_ =	swait.ge [sflag:s0], $0x80  }
0x34: {  	[sflag:s0] =	ssyncset.done $0x0  }
0x35: {  	[sflag:s0] =	ssyncadd.s32 $0xFFFFFF80  }
0x36: {  	[tilespmem:s23], [sflag:$0x4] =	stream.indirect.gather [hbm4b:s5+s21], $0x40, s1, s21, $0xb8;
	[tilespmem:$0x10200] =	vst v63  }
0x37: {  	s28 =	simm.s32 $0x0;
	s30 =	simm.s32 $0xE200  }
0x38: {  	[tilespmem:s30], [sflag:$0x8] =	stream.indirect.gather [hbm4b:s6+s21], $0x40, s1, s21, $0xb8;
	[tilespmem:$0x10200] =	vst v63  }
.LBB2_2:
0x39: {  	_ =	swait.ge [sflag:s31], $0x2000  }
0x3a: {  	[sflag:s31] =	ssyncset.done $0x0  }
0x3b: {  	[sflag:s31] =	ssyncadd.s32 $0xFFFFE000  }
0x3c: {  	_ =	swait.ge [sflag:s8], $0x2000  }
0x3d: {  	[sflag:s8] =	ssyncset.done $0x0  }
0x3e: {  	s25 =	simm.s32 $0x0;
	[sflag:s8] =	ssyncadd.s32 $0xFFFFE000  }
0x3f: {  	v0 =	vld [tilespmem:s25+$0x8210]  }
0x40: {  	v1 =	vld [tilespmem:s25+$0x8200]  }
0x41: {  	v2 =	vld [tilespmem:s25+$0x8220];
	_ =	sdelay $0x1  }
0x42: {  	v3 =	vld [tilespmem:s25+$0x8230]  }
0x43: {  	v0 =	vsub.f32 $0.0e+00, v0  }
0x44: {  	v1 =	vsub.f32 $0.0e+00, v1  }
0x45: {  	v2 =	vsub.f32 $0.0e+00, v2;
	v0 =	vmul.f32 $1.442695020e+00, v0  }
0x46: {  	s22 =	simm.s32 $0x40;
	v1 =	vmul.f32 $1.442695020e+00, v1  }
0x47: {  	(erf) = vpow2.f32 v0;
	v0 =	vmul.f32 $1.442695020e+00, v2;
	v2 =	vsub.f32 $0.0e+00, v3;
	v3 =	vld [tilespmem:s22+$0x8210]  }
0x48: {  	(erf) = vpow2.f32 v1  }
0x49: {  	(erf) = vpow2.f32 v0  }
0x4a: {  	v0 =	vmul.f32 $1.442695020e+00, v2;
	_ =	sdelay $0x1  }
0x4b: {  	v1 =	vld [tilespmem:s22+$0x8200];
	(erf) = vpow2.f32 v0;
	v0 =	vsub.f32 $0.0e+00, v3  }
0x4c: {  	v2 =	vld [tilespmem:s22+$0x8220]  }
0x4d: {  	v0 =	vmul.f32 $1.442695020e+00, v0;
	_ =	sdelay $0x1  }
0x4e: {  	v4 =	vpop (erf)  }
0x4f: {  	v3 =	vld [tilespmem:s22+$0x8230];
	v1 =	vsub.f32 $0.0e+00, v1;
	v5 =	vpop (erf)  }
0x50: {  	v2 =	vsub.f32 $0.0e+00, v2;
	v4 =	vadd.f32 $1.000000000e+00, v4;
	(erf) = vpow2.f32 v0;
	v0 =	vpop (erf)  }
0x51: {  	v1 =	vmul.f32 $1.442695020e+00, v1;
	v0 =	vadd.f32 $1.000000000e+00, v0  }
0x52: {  	s7 =	simm.s32 $0x80;
	v2 =	vmul.f32 $1.442695020e+00, v2;
	(erf) = vrcp.f32 v4  }
0x53: {  	v4 =	vld [tilespmem:s7+$0x8210];
	(erf) = vpow2.f32 v1  }
0x54: {  	v3 =	vsub.f32 $0.0e+00, v3;
	(erf) = vpow2.f32 v2  }
0x55: {  	v1 =	vadd.f32 $1.000000000e+00, v5;
	(erf) = vrcp.f32 v0;
	v0 =	vpop (erf)  }
0x56: {  	v2 =	vmul.f32 $1.442695020e+00, v3;
	v3 =	vld [tilespmem:s7+$0x8200];
	v0 =	vadd.f32 $1.000000000e+00, v0  }
0x57: {  	v5 =	vld [tilespmem:s7+$0x8220];
	(erf) = vrcp.f32 v1  }
0x58: {  	(erf) = vpow2.f32 v2;
	v1 =	vsub.f32 $0.0e+00, v4;
	_ =	sdelay $0x1  }
0x59: {  	v2 =	vld [tilespmem:s7+$0x8230];
	(erf) = vrcp.f32 v0;
	v1 =	vmul.f32 $1.442695020e+00, v1;
	v0 =	vpop (erf)  }
0x5a: {  	v3 =	vsub.f32 $0.0e+00, v3;
	v4 =	vadd.f32 $1.000000000e+00, v0  }
0x5b: {  	s26 =	simm.s32 $0xC0;
	v5 =	vsub.f32 $0.0e+00, v5;
	v0 =	vpop (erf)  }
0x5c: {  	v9 =	vld [tilespmem:s26+$0x8230];
	v3 =	vmul.f32 $1.442695020e+00, v3;
	(erf) = vpow2.f32 v1;
	v6 =	vpop (erf)  }
0x5d: {  	v14 =	vld [tilespmem:s25+$0x200];
	v5 =	vmul.f32 $1.442695020e+00, v5;
	v1 =	vpop (erf);
	(erf) = vrcp.f32 v4  }
0x5e: {  	v10 =	vld [tilespmem:s26+$0x8210];
	v2 =	vsub.f32 $0.0e+00, v2;
	(erf) = vpow2.f32 v3;
	v1 =	vadd.f32 $1.000000000e+00, v1;
	v4 =	vpop (erf)  }
0x5f: {  	v6 =	vadd.f32 $1.000000000e+00, v6;
	v3 =	vld [tilespmem:s25+$0x220];
	(erf) = vpow2.f32 v5;
	v11 =	vpop (erf)  }
0x60: {  	v12 =	vld [tilespmem:s26+$0x8200];
	v2 =	vmul.f32 $1.442695020e+00, v2;
	(erf) = vrcp.f32 v1;
	v5 =	vsub.f32 $0.0e+00, v11;
	v7 =	vpop (erf)  }
0x61: {  	v15 =	vsub.f32 $0.0e+00, v9;
	(erf) = vrcp.f32 v6;
	v6 =	vadd.f32 $1.000000000e+00, v7  }
0x62: {  	v9 =	vld [tilespmem:s26+$0x8220];
	v13 =	vsub.f32 $0.0e+00, v4;
	(erf) = vpow2.f32 v2;
	v5 =	vmax.f32 v14, v5  }
0x63: {  	v16 =	vmin.f32 v5, v11;
	v5 =	vsub.f32 $0.0e+00, v10;
	(erf) = vrcp.f32 v6;
	v6 =	vld [tilespmem:s25+$0x210]  }
0x64: {  	v10 =	vmax.f32 v3, v13  }
0x65: {  	v12 =	vsub.f32 $0.0e+00, v12;
	v1 =	vpop (erf);
	v10 =	vmin.f32 v10, v4;
	v4 =	vld [tilespmem:s25+$0x230]  }
0x66: {  	v8 =	vsub.f32 $0.0e+00, v0;
	v2 =	vmul.f32 $1.442695020e+00, v15;
	v7 =	vsub.f32 $0.0e+00, v1;
	v11 =	vpop (erf)  }
0x67: {  	s30 =	simm.s32 $0x400;
	v11 =	vadd.f32 $1.000000000e+00, v11;
	v14 =	vsub.f32 v14, v16;
	v13 =	vmul.f32 $1.442695020e+00, v5;
	v5 =	vpop (erf)  }
.LBB2_3:
0x68: {  	s18 =	sshra.s32 s30, $0x2;
	p0 =	sne.s32 s30, $0x7F00;
	s30 =	sadd.s32 $0x100, s30;
	v12 =	vmul.f32 $1.442695020e+00, v12;
	v9 =	vsub.f32 $0.0e+00, v9;
	v15 =	vpop (erf);
	v8 =	vmax.f32 v6, v8  }
0x69: {  	v3 =	vsub.f32 v3, v10;
	v16 =	vld [tilespmem:s18+$0x8210];
	(erf) = vpow2.f32 v13;
	v13 =	vadd.f32 $1.000000000e+00, v15;
	v15 =	vpop (erf);
	[tilespmem:s25+$0x200] =	vst v14  }
0x6a: {  	v9 =	vmul.f32 $1.442695020e+00, v9;
	(erf) = vrcp.f32 v11;
	v14 =	vld [tilespmem:s22+$0x200];
	v10 =	vpop (erf);
	v7 =	vmax.f32 v4, v7  }
0x6b: {  	v8 =	vmin.f32 v8, v0;
	v18 =	vadd.f32 $1.000000000e+00, v15;
	v11 =	vld [tilespmem:s18+$0x8230];
	(erf) = vpow2.f32 v12;
	v15 =	vpop (erf);
	[tilespmem:s25+$0x220] =	vst v3  }
0x6c: {  	v0 =	vmovc v5;
	v6 =	vsub.f32 v6, v8;
	(erf) = vpow2.f32 v9;
	v17 =	vsub.f32 $0.0e+00, v15;
	v3 =	vld [tilespmem:s22+$0x220]  }
0x6d: {  	v7 =	vmin.f32 v7, v1;
	v5 =	vld [tilespmem:s18+$0x8200];
	(erf) = vrcp.f32 v18;
	v12 =	vpop (erf);
	v18 =	vsub.f32 $0.0e+00, v10  }
0x6e: {  	v8 =	vsub.f32 $0.0e+00, v0;
	v4 =	vsub.f32 v4, v7;
	v9 =	vld [tilespmem:s18+$0x8220];
	(erf) = vrcp.f32 v13;
	v1 =	vpop (erf);
	[tilespmem:s25+$0x210] =	vst v6  }
.Ltmp2:
0x6f: {  	v12 =	vadd.f32 $1.000000000e+00, v12;
	v13 =	vmax.f32 v14, v17;
	v6 =	vld [tilespmem:s22+$0x210];
	v7 =	vsub.f32 $0.0e+00, v1;
	(pc) =	sbr.rel @p0 .LBB2_3-.Ltmp2, $4  }
0x70: {  	v11 =	vsub.f32 $0.0e+00, v11;
	(erf) = vpow2.f32 v2;
	v15 =	vmin.f32 v13, v15;
	[tilespmem:s25+$0x230] =	vst v4;
	s25 =	smov.u32 s22;
	s22 =	smov.u32 s7;
	s7 =	smov.u32 s26  }
0x71: {  	v13 =	vsub.f32 $0.0e+00, v16;
	s26 =	smov.u32 s18;
	(erf) = vrcp.f32 v12;
	v16 =	vmax.f32 v3, v18;
	v4 =	vld [tilespmem:s25+$0x230]  }
0x72: {  	v12 =	vsub.f32 $0.0e+00, v5;
	v2 =	vmul.f32 $1.442695020e+00, v11;
	v5 =	vpop (erf);
	v10 =	vmin.f32 v16, v10  }
0x73: {  	v14 =	vsub.f32 v14, v15;
	v13 =	vmul.f32 $1.442695020e+00, v13;
	v11 =	vadd.f32 $1.000000000e+00, v5;
	v5 =	vpop (erf)  }
0x74: {  	v9 =	vsub.f32 $0.0e+00, v9;
	v8 =	vmax.f32 v6, v8;
	v3 =	vsub.f32 v3, v10  }
0x75: {  	v12 =	vmul.f32 $1.442695020e+00, v12;
	v15 =	vpop (erf);
	(erf) = vpow2.f32 v13;
	[tilespmem:s25+$0x200] =	vst v14  }
0x76: {  	v13 =	vadd.f32 $1.000000000e+00, v15;
	v15 =	vpop (erf);
	v9 =	vmul.f32 $1.442695020e+00, v9;
	(erf) = vrcp.f32 v11;
	v10 =	vld [tilespmem:s22+$0x200]  }
0x77: {  	v0 =	vmin.f32 v8, v0;
	v11 =	vadd.f32 $1.000000000e+00, v15;
	(erf) = vpow2.f32 v12;
	v8 =	vpop (erf)  }
0x78: {  	v7 =	vmax.f32 v4, v7;
	[tilespmem:s25+$0x220] =	vst v3;
	v0 =	vsub.f32 v6, v0;
	(erf) = vpow2.f32 v9;
	v3 =	vpop (erf)  }
0x79: {  	v6 =	vld [tilespmem:s22+$0x220];
	v1 =	vmin.f32 v7, v1;
	(erf) = vrcp.f32 v11;
	v7 =	vsub.f32 $0.0e+00, v3  }
0x7a: {  	[tilespmem:s25+$0x210] =	vst v0;
	v0 =	vsub.f32 v4, v1;
	v9 =	vsub.f32 $0.0e+00, v8;
	v4 =	vpop (erf);
	(erf) = vrcp.f32 v13  }
0x7b: {  	v1 =	vld [tilespmem:s22+$0x210];
	v4 =	vadd.f32 $1.000000000e+00, v4;
	v7 =	vmax.f32 v10, v7  }
0x7c: {  	[tilespmem:s25+$0x230] =	vst v0;
	v3 =	vmin.f32 v7, v3  }
0x7d: {  	v11 =	vpop (erf);
	v7 =	vld [tilespmem:s22+$0x230];
	v3 =	vsub.f32 v10, v3  }
0x7e: {  	v0 =	vsub.f32 $0.0e+00, v5;
	(erf) = vpow2.f32 v2;
	v2 =	vmax.f32 v6, v9;
	v9 =	vpop (erf)  }
0x7f: {  	(erf) = vrcp.f32 v4;
	v4 =	vpop (erf)  }
0x80: {  	v2 =	vmin.f32 v2, v8;
	v8 =	vsub.f32 $0.0e+00, v11;
	v0 =	vmax.f32 v1, v0;
	[tilespmem:s22+$0x200] =	vst v3;
	v10 =	vpop (erf)  }
0x81: {  	v2 =	vsub.f32 v6, v2;
	v0 =	vmin.f32 v0, v5;
	v6 =	vld [tilespmem:s7+$0x200];
	v3 =	vpop (erf)  }
0x82: {  	v0 =	vsub.f32 v1, v0;
	v8 =	vmax.f32 v7, v8;
	v5 =	vpop (erf)  }
0x83: {  	[tilespmem:s22+$0x220] =	vst v2;
	v1 =	vadd.f32 $1.000000000e+00, v9;
	v2 =	vadd.f32 $1.000000000e+00, v3;
	v8 =	vmin.f32 v8, v11;
	v3 =	vpop (erf)  }
0x84: {  	v9 =	vld [tilespmem:s7+$0x220];
	[tilespmem:s22+$0x210] =	vst v0;
	v0 =	vsub.f32 v7, v8;
	v11 =	vsub.f32 $0.0e+00, v3;
	_ =	sdelay $0x1  }
0x85: {  	(erf) = vrcp.f32 v1;
	v7 =	vadd.f32 $1.000000000e+00, v10;
	v1 =	vld [tilespmem:s7+$0x210];
	[tilespmem:s22+$0x230] =	vst v0;
	v8 =	vmax.f32 v6, v11  }
0x86: {  	(erf) = vrcp.f32 v2;
	v2 =	vsub.f32 $0.0e+00, v5;
	v3 =	vmin.f32 v8, v3;
	v8 =	vld [tilespmem:s7+$0x230]  }
0x87: {  	(erf) = vrcp.f32 v7;
	v0 =	vpop (erf)  }
0x88: {  	v7 =	vsub.f32 $0.0e+00, v4;
	v2 =	vmax.f32 v9, v2;
	v10 =	vpop (erf);
	v0 =	vadd.f32 $1.000000000e+00, v0  }
0x89: {  	v2 =	vmin.f32 v2, v5;
	v3 =	vsub.f32 v6, v3;
	v6 =	vsub.f32 $0.0e+00, v10  }
0x8a: {  	v2 =	vsub.f32 v9, v2;
	(erf) = vrcp.f32 v0;
	v0 =	vmax.f32 v1, v7  }
0x8b: {  	[tilespmem:s7+$0x200] =	vst v3;
	v0 =	vmin.f32 v0, v4;
	v4 =	vmax.f32 v8, v6  }
0x8c: {  	v3 =	vld [tilespmem:s26+$0x200];
	[tilespmem:s7+$0x220] =	vst v2;
	v0 =	vsub.f32 v1, v0;
	v2 =	vmin.f32 v4, v10;
	_ =	sdelay $0x1  }
0x8d: {  	v1 =	vld [tilespmem:s26+$0x220];
	[tilespmem:s7+$0x210] =	vst v0;
	v0 =	vsub.f32 v8, v2;
	v4 =	vpop (erf)  }
0x8e: {  	v2 =	vpop (erf)  }
0x8f: {  	v5 =	vld [tilespmem:s26+$0x210];
	[tilespmem:s7+$0x230] =	vst v0;
	v6 =	vpop (erf)  }
0x90: {  	v7 =	vld [tilespmem:s26+$0x230];
	v0 =	vsub.f32 $0.0e+00, v6  }
0x91: {  	v8 =	vsub.f32 $0.0e+00, v2  }
0x92: {  	v9 =	vsub.f32 $0.0e+00, v4;
	v10 =	vpop (erf);
	v0 =	vmax.f32 v3, v0  }
0x93: {  	v11 =	vsub.f32 $0.0e+00, v10;
	v0 =	vmin.f32 v0, v6;
	v6 =	vmax.f32 v1, v8  }
0x94: {  	v2 =	vmin.f32 v6, v2;
	v0 =	vsub.f32 v3, v0;
	v3 =	vmax.f32 v5, v9  }
0x95: {  	v1 =	vsub.f32 v1, v2;
	v2 =	vmax.f32 v7, v11;
	v3 =	vmin.f32 v3, v4  }
0x96: {  	s11 =	rddreg [dreg:$0x7];
	s25 =	sshll.u32 s28, $0xF;
	[tilespmem:s26+$0x200] =	vst v0;
	v0 =	vsub.f32 v5, v3;
	v2 =	vmin.f32 v2, v10  }
0x97: {  	s7 =	sadd.s32 s11, s25;
	[tilespmem:s26+$0x220] =	vst v1;
	v1 =	vsub.f32 v7, v2  }
0x98: {  	s7 =	sshrl.u32 s7, $0x3;
	[tilespmem:s26+$0x210] =	vst v0  }
0x99: {  	s7 =	sadd.s32 s2, s7;
	[tilespmem:s26+$0x230] =	vst v1;
	s26 =	simm.s32 $0x200  }
0x9a: {  	[hbm4b:s7+s3] =	stream.linear.scatter [tilespmem:s26], [sflag:$0x9], $0x2000, $0x38;
	[tilespmem:$0x10200] =	vst v63  }
0x9b: {  	p0 =	seq.s32 s28, $0x13;
	s7 =	sshll.u32 s28, $0x9  }
0x9c: {  	_ =	swait.ge [sflag:s20], $0x2000;
	s11 =	sadd.s32 @!p0 s7, s12  }
0x9d: {  	[sflag:s20] =	ssyncset.done $0x0;
	s11 =	sshrl.u32 @!p0 s11, $0x3  }
0x9e: {  	s18 =	simm.s32 @!p0 $0x0;
	[sflag:s20] =	ssyncadd.s32 $0xFFFFE000;
	s11 =	sadd.s32 @!p0 s4, s11  }
0x9f: {  	[tilespmem:s18], [sflag:$0x1] =	stream.linear.gather @!p0 [hbm4b:s11+s18], $0x80, $0x38;
	[tilespmem:$0x10200] =	vst v63  }
0xa0: {  	s11 =	simm.s32 @!p0 $0x1  }
0xa1: {  	_ =	swait.ge @!p0 [sflag:s11], $0x80  }
0xa2: {  	[sflag:s11] =	ssyncset.done @!p0 $0x0  }
0xa3: {  	s22 =	simm.s32 @!p0 $0x200;
	[sflag:s11] =	ssyncadd.s32 @!p0 $0xFFFFFF80;
	s11 =	simm.s32 @!p0 $0x80  }
0xa4: {  	[tilespmem:s22], [sflag:$0x1] =	stream.indirect.gather @!p0 [hbm4b:s5+s11], $0x40, s18, s11, $0xb8;
	[tilespmem:$0x10200] =	vst v63  }
0xa5: {  	s22 =	simm.s32 @!p0 $0x8200  }
0xa6: {  	[tilespmem:s22], [sflag:$0x5] =	stream.indirect.gather @!p0 [hbm4b:s6+s11], $0x40, s18, s11, $0xb8;
	[tilespmem:$0x10200] =	vst v63  }
0xa7: {  	_ =	swait.ge [sflag:s24], $0x2000  }
0xa8: {  	[sflag:s24] =	ssyncset.done $0x0  }
0xa9: {  	[sflag:s24] =	ssyncadd.s32 $0xFFFFE000  }
0xaa: {  	_ =	swait.ge [sflag:s9], $0x2000  }
0xab: {  	[sflag:s9] =	ssyncset.done $0x0  }
0xac: {  	s30 =	simm.s32 $0x0;
	[sflag:s9] =	ssyncadd.s32 $0xFFFFE000  }
0xad: {  	v0 =	vld [tilespmem:s30+$0xA210]  }
0xae: {  	v1 =	vld [tilespmem:s30+$0xA200]  }
0xaf: {  	v2 =	vld [tilespmem:s30+$0xA220];
	_ =	sdelay $0x1  }
0xb0: {  	v3 =	vld [tilespmem:s30+$0xA230]  }
0xb1: {  	v0 =	vsub.f32 $0.0e+00, v0  }
0xb2: {  	v1 =	vsub.f32 $0.0e+00, v1  }
0xb3: {  	v2 =	vsub.f32 $0.0e+00, v2;
	v0 =	vmul.f32 $1.442695020e+00, v0  }
0xb4: {  	s25 =	simm.s32 $0x40;
	v1 =	vmul.f32 $1.442695020e+00, v1  }
0xb5: {  	(erf) = vpow2.f32 v0;
	v0 =	vmul.f32 $1.442695020e+00, v2;
	v2 =	vsub.f32 $0.0e+00, v3;
	v3 =	vld [tilespmem:s25+$0xA210]  }
0xb6: {  	(erf) = vpow2.f32 v1  }
0xb7: {  	(erf) = vpow2.f32 v0  }
0xb8: {  	v0 =	vmul.f32 $1.442695020e+00, v2;
	_ =	sdelay $0x1  }
0xb9: {  	v1 =	vld [tilespmem:s25+$0xA200];
	(erf) = vpow2.f32 v0;
	v0 =	vsub.f32 $0.0e+00, v3  }
0xba: {  	v2 =	vld [tilespmem:s25+$0xA220]  }
0xbb: {  	v0 =	vmul.f32 $1.442695020e+00, v0;
	_ =	sdelay $0x1  }
0xbc: {  	v4 =	vpop (erf)  }
0xbd: {  	v3 =	vld [tilespmem:s25+$0xA230];
	v1 =	vsub.f32 $0.0e+00, v1;
	v5 =	vpop (erf)  }
0xbe: {  	v2 =	vsub.f32 $0.0e+00, v2;
	(erf) = vpow2.f32 v0;
	v4 =	vadd.f32 $1.000000000e+00, v4;
	v0 =	vpop (erf)  }
0xbf: {  	v1 =	vmul.f32 $1.442695020e+00, v1;
	v0 =	vadd.f32 $1.000000000e+00, v0  }
0xc0: {  	s26 =	simm.s32 $0x80;
	v2 =	vmul.f32 $1.442695020e+00, v2;
	(erf) = vrcp.f32 v4  }
0xc1: {  	v4 =	vld [tilespmem:s26+$0xA210];
	(erf) = vpow2.f32 v1  }
0xc2: {  	v3 =	vsub.f32 $0.0e+00, v3;
	(erf) = vpow2.f32 v2  }
0xc3: {  	v1 =	vadd.f32 $1.000000000e+00, v5;
	(erf) = vrcp.f32 v0;
	v0 =	vpop (erf)  }
0xc4: {  	v2 =	vmul.f32 $1.442695020e+00, v3;
	v3 =	vld [tilespmem:s26+$0xA200];
	v0 =	vadd.f32 $1.000000000e+00, v0  }
0xc5: {  	v5 =	vld [tilespmem:s26+$0xA220];
	(erf) = vrcp.f32 v1  }
0xc6: {  	(erf) = vpow2.f32 v2;
	v1 =	vsub.f32 $0.0e+00, v4;
	_ =	sdelay $0x1  }
0xc7: {  	v2 =	vld [tilespmem:s26+$0xA230];
	(erf) = vrcp.f32 v0;
	v1 =	vmul.f32 $1.442695020e+00, v1;
	v0 =	vpop (erf)  }
0xc8: {  	v3 =	vsub.f32 $0.0e+00, v3;
	v4 =	vadd.f32 $1.000000000e+00, v0  }
0xc9: {  	s22 =	simm.s32 $0xC0;
	v5 =	vsub.f32 $0.0e+00, v5;
	v0 =	vpop (erf)  }
0xca: {  	v9 =	vld [tilespmem:s22+$0xA230];
	v3 =	vmul.f32 $1.442695020e+00, v3;
	v6 =	vpop (erf);
	(erf) = vpow2.f32 v1  }
0xcb: {  	v14 =	vld [tilespmem:s30+$0x2200];
	v5 =	vmul.f32 $1.442695020e+00, v5;
	v1 =	vpop (erf);
	(erf) = vrcp.f32 v4  }
0xcc: {  	v10 =	vld [tilespmem:s22+$0xA210];
	v2 =	vsub.f32 $0.0e+00, v2;
	(erf) = vpow2.f32 v3;
	v1 =	vadd.f32 $1.000000000e+00, v1;
	v4 =	vpop (erf)  }
0xcd: {  	v6 =	vadd.f32 $1.000000000e+00, v6;
	v3 =	vld [tilespmem:s30+$0x2220];
	(erf) = vpow2.f32 v5;
	v11 =	vpop (erf)  }
0xce: {  	v12 =	vld [tilespmem:s22+$0xA200];
	v2 =	vmul.f32 $1.442695020e+00, v2;
	(erf) = vrcp.f32 v1;
	v5 =	vsub.f32 $0.0e+00, v11;
	v7 =	vpop (erf)  }
0xcf: {  	v15 =	vsub.f32 $0.0e+00, v9;
	(erf) = vrcp.f32 v6;
	v6 =	vadd.f32 $1.000000000e+00, v7  }
0xd0: {  	v9 =	vld [tilespmem:s22+$0xA220];
	v13 =	vsub.f32 $0.0e+00, v4;
	(erf) = vpow2.f32 v2;
	v5 =	vmax.f32 v14, v5  }
0xd1: {  	v16 =	vmin.f32 v5, v11;
	v5 =	vsub.f32 $0.0e+00, v10;
	(erf) = vrcp.f32 v6;
	v6 =	vld [tilespmem:s30+$0x2210]  }
0xd2: {  	v10 =	vmax.f32 v3, v13  }
0xd3: {  	v12 =	vsub.f32 $0.0e+00, v12;
	v1 =	vpop (erf);
	v10 =	vmin.f32 v10, v4;
	v4 =	vld [tilespmem:s30+$0x2230]  }
0xd4: {  	v8 =	vsub.f32 $0.0e+00, v0;
	v2 =	vmul.f32 $1.442695020e+00, v15;
	v7 =	vsub.f32 $0.0e+00, v1;
	v11 =	vpop (erf)  }
0xd5: {  	s18 =	simm.s32 $0x400;
	v14 =	vsub.f32 v14, v16;
	v13 =	vmul.f32 $1.442695020e+00, v5;
	v11 =	vadd.f32 $1.000000000e+00, v11;
	v5 =	vpop (erf)  }
.LBB2_5:
0xd6: {  	s11 =	sshra.s32 s18, $0x2;
	p1 =	sne.s32 s18, $0x7F00;
	s18 =	sadd.s32 $0x100, s18;
	v12 =	vmul.f32 $1.442695020e+00, v12;
	v9 =	vsub.f32 $0.0e+00, v9;
	v15 =	vpop (erf);
	v8 =	vmax.f32 v6, v8  }
0xd7: {  	v3 =	vsub.f32 v3, v10;
	v16 =	vld [tilespmem:s11+$0xA210];
	(erf) = vpow2.f32 v13;
	v13 =	vadd.f32 $1.000000000e+00, v15;
	v15 =	vpop (erf);
	[tilespmem:s30+$0x2200] =	vst v14  }
0xd8: {  	v9 =	vmul.f32 $1.442695020e+00, v9;
	(erf) = vrcp.f32 v11;
	v14 =	vld [tilespmem:s25+$0x2200];
	v10 =	vpop (erf);
	v7 =	vmax.f32 v4, v7  }
0xd9: {  	v8 =	vmin.f32 v8, v0;
	v18 =	vadd.f32 $1.000000000e+00, v15;
	v11 =	vld [tilespmem:s11+$0xA230];
	(erf) = vpow2.f32 v12;
	v15 =	vpop (erf);
	[tilespmem:s30+$0x2220] =	vst v3  }
0xda: {  	v0 =	vmovc v5;
	v6 =	vsub.f32 v6, v8;
	(erf) = vpow2.f32 v9;
	v17 =	vsub.f32 $0.0e+00, v15;
	v3 =	vld [tilespmem:s25+$0x2220]  }
0xdb: {  	v7 =	vmin.f32 v7, v1;
	v5 =	vld [tilespmem:s11+$0xA200];
	(erf) = vrcp.f32 v18;
	v12 =	vpop (erf);
	v18 =	vsub.f32 $0.0e+00, v10  }
0xdc: {  	v8 =	vsub.f32 $0.0e+00, v0;
	v4 =	vsub.f32 v4, v7;
	v9 =	vld [tilespmem:s11+$0xA220];
	(erf) = vrcp.f32 v13;
	v1 =	vpop (erf);
	[tilespmem:s30+$0x2210] =	vst v6  }
.Ltmp3:
0xdd: {  	v12 =	vadd.f32 $1.000000000e+00, v12;
	v13 =	vmax.f32 v14, v17;
	v6 =	vld [tilespmem:s25+$0x2210];
	v7 =	vsub.f32 $0.0e+00, v1;
	(pc) =	sbr.rel @p1 .LBB2_5-.Ltmp3, $4  }
0xde: {  	v11 =	vsub.f32 $0.0e+00, v11;
	(erf) = vpow2.f32 v2;
	v15 =	vmin.f32 v13, v15;
	[tilespmem:s30+$0x2230] =	vst v4;
	s30 =	smov.u32 s25;
	s25 =	smov.u32 s26;
	s26 =	smov.u32 s22  }
0xdf: {  	v13 =	vsub.f32 $0.0e+00, v16;
	s22 =	smov.u32 s11;
	(erf) = vrcp.f32 v12;
	v16 =	vmax.f32 v3, v18;
	v4 =	vld [tilespmem:s30+$0x2230]  }
0xe0: {  	v12 =	vsub.f32 $0.0e+00, v5;
	v2 =	vmul.f32 $1.442695020e+00, v11;
	v5 =	vpop (erf);
	v10 =	vmin.f32 v16, v10  }
0xe1: {  	v14 =	vsub.f32 v14, v15;
	v13 =	vmul.f32 $1.442695020e+00, v13;
	v11 =	vadd.f32 $1.000000000e+00, v5;
	v5 =	vpop (erf)  }
0xe2: {  	v9 =	vsub.f32 $0.0e+00, v9;
	v8 =	vmax.f32 v6, v8;
	v3 =	vsub.f32 v3, v10  }
0xe3: {  	v12 =	vmul.f32 $1.442695020e+00, v12;
	v15 =	vpop (erf);
	(erf) = vpow2.f32 v13;
	[tilespmem:s30+$0x2200] =	vst v14  }
0xe4: {  	v13 =	vadd.f32 $1.000000000e+00, v15;
	v15 =	vpop (erf);
	v9 =	vmul.f32 $1.442695020e+00, v9;
	(erf) = vrcp.f32 v11;
	v10 =	vld [tilespmem:s25+$0x2200]  }
0xe5: {  	v0 =	vmin.f32 v8, v0;
	v11 =	vadd.f32 $1.000000000e+00, v15;
	(erf) = vpow2.f32 v12;
	v8 =	vpop (erf)  }
0xe6: {  	v7 =	vmax.f32 v4, v7;
	[tilespmem:s30+$0x2220] =	vst v3;
	v0 =	vsub.f32 v6, v0;
	(erf) = vpow2.f32 v9;
	v3 =	vpop (erf)  }
0xe7: {  	v6 =	vld [tilespmem:s25+$0x2220];
	v1 =	vmin.f32 v7, v1;
	(erf) = vrcp.f32 v11;
	v7 =	vsub.f32 $0.0e+00, v3  }
0xe8: {  	[tilespmem:s30+$0x2210] =	vst v0;
	v0 =	vsub.f32 v4, v1;
	v9 =	vsub.f32 $0.0e+00, v8;
	v4 =	vpop (erf);
	(erf) = vrcp.f32 v13  }
0xe9: {  	v1 =	vld [tilespmem:s25+$0x2210];
	v4 =	vadd.f32 $1.000000000e+00, v4;
	v7 =	vmax.f32 v10, v7  }
0xea: {  	[tilespmem:s30+$0x2230] =	vst v0;
	v3 =	vmin.f32 v7, v3  }
0xeb: {  	v11 =	vpop (erf);
	v7 =	vld [tilespmem:s25+$0x2230];
	v3 =	vsub.f32 v10, v3  }
0xec: {  	v0 =	vsub.f32 $0.0e+00, v5;
	(erf) = vpow2.f32 v2;
	v2 =	vmax.f32 v6, v9;
	v9 =	vpop (erf)  }
0xed: {  	(erf) = vrcp.f32 v4;
	v4 =	vpop (erf)  }
0xee: {  	v2 =	vmin.f32 v2, v8;
	v8 =	vsub.f32 $0.0e+00, v11;
	v0 =	vmax.f32 v1, v0;
	[tilespmem:s25+$0x2200] =	vst v3;
	v10 =	vpop (erf)  }
0xef: {  	v2 =	vsub.f32 v6, v2;
	v0 =	vmin.f32 v0, v5;
	v6 =	vld [tilespmem:s26+$0x2200];
	v3 =	vpop (erf)  }
0xf0: {  	v0 =	vsub.f32 v1, v0;
	v8 =	vmax.f32 v7, v8;
	v5 =	vpop (erf)  }
0xf1: {  	[tilespmem:s25+$0x2220] =	vst v2;
	v1 =	vadd.f32 $1.000000000e+00, v9;
	v2 =	vadd.f32 $1.000000000e+00, v3;
	v8 =	vmin.f32 v8, v11;
	v3 =	vpop (erf)  }
0xf2: {  	v9 =	vld [tilespmem:s26+$0x2220];
	[tilespmem:s25+$0x2210] =	vst v0;
	v0 =	vsub.f32 v7, v8;
	v11 =	vsub.f32 $0.0e+00, v3;
	_ =	sdelay $0x1  }
0xf3: {  	(erf) = vrcp.f32 v1;
	v7 =	vadd.f32 $1.000000000e+00, v10;
	v1 =	vld [tilespmem:s26+$0x2210];
	[tilespmem:s25+$0x2230] =	vst v0;
	v8 =	vmax.f32 v6, v11  }
0xf4: {  	(erf) = vrcp.f32 v2;
	v2 =	vsub.f32 $0.0e+00, v5;
	v3 =	vmin.f32 v8, v3;
	v8 =	vld [tilespmem:s26+$0x2230]  }
0xf5: {  	(erf) = vrcp.f32 v7;
	v0 =	vpop (erf)  }
0xf6: {  	v7 =	vsub.f32 $0.0e+00, v4;
	v2 =	vmax.f32 v9, v2;
	v10 =	vpop (erf);
	v0 =	vadd.f32 $1.000000000e+00, v0  }
0xf7: {  	v2 =	vmin.f32 v2, v5;
	v3 =	vsub.f32 v6, v3;
	v6 =	vsub.f32 $0.0e+00, v10  }
0xf8: {  	v2 =	vsub.f32 v9, v2;
	(erf) = vrcp.f32 v0;
	v0 =	vmax.f32 v1, v7  }
0xf9: {  	[tilespmem:s26+$0x2200] =	vst v3;
	v0 =	vmin.f32 v0, v4;
	v4 =	vmax.f32 v8, v6  }
0xfa: {  	v3 =	vld [tilespmem:s22+$0x2200];
	[tilespmem:s26+$0x2220] =	vst v2;
	v0 =	vsub.f32 v1, v0;
	v2 =	vmin.f32 v4, v10;
	_ =	sdelay $0x1  }
0xfb: {  	v1 =	vld [tilespmem:s22+$0x2220];
	[tilespmem:s26+$0x2210] =	vst v0;
	v0 =	vsub.f32 v8, v2;
	v4 =	vpop (erf)  }
0xfc: {  	v2 =	vpop (erf)  }
0xfd: {  	v5 =	vld [tilespmem:s22+$0x2210];
	[tilespmem:s26+$0x2230] =	vst v0;
	v6 =	vpop (erf)  }
0xfe: {  	v7 =	vld [tilespmem:s22+$0x2230];
	v0 =	vsub.f32 $0.0e+00, v6  }
0xff: {  	v8 =	vsub.f32 $0.0e+00, v2  }
0x100: {  	v9 =	vsub.f32 $0.0e+00, v4;
	v10 =	vpop (erf);
	v0 =	vmax.f32 v3, v0  }
0x101: {  	v11 =	vsub.f32 $0.0e+00, v10;
	v0 =	vmin.f32 v0, v6;
	v6 =	vmax.f32 v1, v8  }
0x102: {  	v2 =	vmin.f32 v6, v2;
	v0 =	vsub.f32 v3, v0;
	v3 =	vmax.f32 v5, v9  }
0x103: {  	v1 =	vsub.f32 v1, v2;
	v2 =	vmax.f32 v7, v11;
	v3 =	vmin.f32 v3, v4  }
0x104: {  	s11 =	sadd.s32 s7, s13;
	[tilespmem:s22+$0x2200] =	vst v0;
	v0 =	vsub.f32 v5, v3;
	v2 =	vmin.f32 v2, v10  }
0x105: {  	s11 =	sshll.u32 s11, $0x3;
	[tilespmem:s22+$0x2220] =	vst v1;
	v1 =	vsub.f32 v7, v2  }
0x106: {  	s11 =	sand.u32 $0x1FFFF400, s11;
	[tilespmem:s22+$0x2210] =	vst v0  }
0x107: {  	s18 =	simm.s32 $0x2200;
	s11 =	sadd.s32 s2, s11;
	[tilespmem:s22+$0x2230] =	vst v1  }
0x108: {  	[hbm4b:s11+s3] =	stream.linear.scatter [tilespmem:s18], [sflag:$0x9], $0x2000, $0x38;
	[tilespmem:$0x10200] =	vst v63  }
0x109: {  	s11 =	sadd.s32 @!p0 s7, s14;
	_ =	swait.ge [sflag:s20], $0x2000  }
0x10a: {  	s22 =	simm.s32 @!p0 $0x80;
	s11 =	sshrl.u32 @!p0 s11, $0x3;
	[sflag:s20] =	ssyncset.done $0x0  }
0x10b: {  	s18 =	simm.s32 @!p0 $0x0;
	s11 =	sadd.s32 @!p0 s4, s11;
	[sflag:s20] =	ssyncadd.s32 $0xFFFFE000  }
0x10c: {  	[tilespmem:s22], [sflag:$0x2] =	stream.linear.gather @!p0 [hbm4b:s11+s18], $0x80, $0x38;
	[tilespmem:$0x10200] =	vst v63  }
0x10d: {  	s11 =	simm.s32 @!p0 $0x2  }
0x10e: {  	_ =	swait.ge @!p0 [sflag:s11], $0x80  }
0x10f: {  	[sflag:s11] =	ssyncset.done @!p0 $0x0  }
0x110: {  	[sflag:s11] =	ssyncadd.s32 @!p0 $0xFFFFFF80;
	s11 =	simm.s32 @!p0 $0x2200  }
0x111: {  	[tilespmem:s11], [sflag:$0x2] =	stream.indirect.gather @!p0 [hbm4b:s5+s22], $0x40, s22, s22, $0xb8;
	[tilespmem:$0x10200] =	vst v63  }
0x112: {  	s11 =	simm.s32 @!p0 $0xA200  }
0x113: {  	[tilespmem:s11], [sflag:$0x6] =	stream.indirect.gather @!p0 [hbm4b:s6+s22], $0x40, s22, s22, $0xb8;
	[tilespmem:$0x10200] =	vst v63  }
0x114: {  	_ =	swait.ge [sflag:s29], $0x2000  }
0x115: {  	[sflag:s29] =	ssyncset.done $0x0  }
0x116: {  	[sflag:s29] =	ssyncadd.s32 $0xFFFFE000  }
0x117: {  	_ =	swait.ge [sflag:s10], $0x2000  }
0x118: {  	[sflag:s10] =	ssyncset.done $0x0  }
0x119: {  	s30 =	simm.s32 $0x0;
	[sflag:s10] =	ssyncadd.s32 $0xFFFFE000  }
0x11a: {  	v0 =	vld [tilespmem:s30+$0xC210]  }
0x11b: {  	v1 =	vld [tilespmem:s30+$0xC200]  }
0x11c: {  	v2 =	vld [tilespmem:s30+$0xC220];
	_ =	sdelay $0x1  }
0x11d: {  	v3 =	vld [tilespmem:s30+$0xC230]  }
0x11e: {  	v0 =	vsub.f32 $0.0e+00, v0  }
0x11f: {  	v1 =	vsub.f32 $0.0e+00, v1  }
0x120: {  	v2 =	vsub.f32 $0.0e+00, v2;
	v0 =	vmul.f32 $1.442695020e+00, v0  }
0x121: {  	s25 =	simm.s32 $0x40;
	v1 =	vmul.f32 $1.442695020e+00, v1  }
0x122: {  	(erf) = vpow2.f32 v0;
	v0 =	vmul.f32 $1.442695020e+00, v2;
	v2 =	vsub.f32 $0.0e+00, v3;
	v3 =	vld [tilespmem:s25+$0xC210]  }
0x123: {  	(erf) = vpow2.f32 v1  }
0x124: {  	(erf) = vpow2.f32 v0  }
0x125: {  	v0 =	vmul.f32 $1.442695020e+00, v2;
	_ =	sdelay $0x1  }
0x126: {  	v1 =	vld [tilespmem:s25+$0xC200];
	(erf) = vpow2.f32 v0;
	v0 =	vsub.f32 $0.0e+00, v3  }
0x127: {  	v2 =	vld [tilespmem:s25+$0xC220]  }
0x128: {  	v0 =	vmul.f32 $1.442695020e+00, v0;
	_ =	sdelay $0x1  }
0x129: {  	v4 =	vpop (erf)  }
0x12a: {  	v3 =	vld [tilespmem:s25+$0xC230];
	v1 =	vsub.f32 $0.0e+00, v1;
	v5 =	vpop (erf)  }
0x12b: {  	v2 =	vsub.f32 $0.0e+00, v2;
	(erf) = vpow2.f32 v0;
	v4 =	vadd.f32 $1.000000000e+00, v4;
	v0 =	vpop (erf)  }
0x12c: {  	v1 =	vmul.f32 $1.442695020e+00, v1;
	v0 =	vadd.f32 $1.000000000e+00, v0  }
0x12d: {  	s26 =	simm.s32 $0x80;
	v2 =	vmul.f32 $1.442695020e+00, v2;
	(erf) = vrcp.f32 v4  }
0x12e: {  	v4 =	vld [tilespmem:s26+$0xC210];
	(erf) = vpow2.f32 v1  }
0x12f: {  	v3 =	vsub.f32 $0.0e+00, v3;
	(erf) = vpow2.f32 v2  }
0x130: {  	v1 =	vadd.f32 $1.000000000e+00, v5;
	(erf) = vrcp.f32 v0;
	v0 =	vpop (erf)  }
0x131: {  	v2 =	vmul.f32 $1.442695020e+00, v3;
	v3 =	vld [tilespmem:s26+$0xC200];
	v0 =	vadd.f32 $1.000000000e+00, v0  }
0x132: {  	v5 =	vld [tilespmem:s26+$0xC220];
	(erf) = vrcp.f32 v1  }
0x133: {  	(erf) = vpow2.f32 v2;
	v1 =	vsub.f32 $0.0e+00, v4;
	_ =	sdelay $0x1  }
0x134: {  	v2 =	vld [tilespmem:s26+$0xC230];
	(erf) = vrcp.f32 v0;
	v1 =	vmul.f32 $1.442695020e+00, v1;
	v0 =	vpop (erf)  }
0x135: {  	v3 =	vsub.f32 $0.0e+00, v3;
	v4 =	vadd.f32 $1.000000000e+00, v0  }
0x136: {  	s22 =	simm.s32 $0xC0;
	v5 =	vsub.f32 $0.0e+00, v5;
	v0 =	vpop (erf)  }
0x137: {  	v9 =	vld [tilespmem:s22+$0xC230];
	v3 =	vmul.f32 $1.442695020e+00, v3;
	v6 =	vpop (erf);
	(erf) = vpow2.f32 v1  }
0x138: {  	v14 =	vld [tilespmem:s30+$0x4200];
	v5 =	vmul.f32 $1.442695020e+00, v5;
	v1 =	vpop (erf);
	(erf) = vrcp.f32 v4  }
0x139: {  	v10 =	vld [tilespmem:s22+$0xC210];
	v2 =	vsub.f32 $0.0e+00, v2;
	(erf) = vpow2.f32 v3;
	v1 =	vadd.f32 $1.000000000e+00, v1;
	v4 =	vpop (erf)  }
0x13a: {  	v6 =	vadd.f32 $1.000000000e+00, v6;
	v3 =	vld [tilespmem:s30+$0x4220];
	(erf) = vpow2.f32 v5;
	v11 =	vpop (erf)  }
0x13b: {  	v12 =	vld [tilespmem:s22+$0xC200];
	v2 =	vmul.f32 $1.442695020e+00, v2;
	(erf) = vrcp.f32 v1;
	v5 =	vsub.f32 $0.0e+00, v11;
	v7 =	vpop (erf)  }
0x13c: {  	v15 =	vsub.f32 $0.0e+00, v9;
	(erf) = vrcp.f32 v6;
	v6 =	vadd.f32 $1.000000000e+00, v7  }
0x13d: {  	v9 =	vld [tilespmem:s22+$0xC220];
	v13 =	vsub.f32 $0.0e+00, v4;
	(erf) = vpow2.f32 v2;
	v5 =	vmax.f32 v14, v5  }
0x13e: {  	v16 =	vmin.f32 v5, v11;
	v5 =	vsub.f32 $0.0e+00, v10;
	(erf) = vrcp.f32 v6;
	v6 =	vld [tilespmem:s30+$0x4210]  }
0x13f: {  	v10 =	vmax.f32 v3, v13  }
0x140: {  	v12 =	vsub.f32 $0.0e+00, v12;
	v1 =	vpop (erf);
	v10 =	vmin.f32 v10, v4;
	v4 =	vld [tilespmem:s30+$0x4230]  }
0x141: {  	v8 =	vsub.f32 $0.0e+00, v0;
	v2 =	vmul.f32 $1.442695020e+00, v15;
	v7 =	vsub.f32 $0.0e+00, v1;
	v11 =	vpop (erf)  }
0x142: {  	s18 =	simm.s32 $0x400;
	v14 =	vsub.f32 v14, v16;
	v13 =	vmul.f32 $1.442695020e+00, v5;
	v11 =	vadd.f32 $1.000000000e+00, v11;
	v5 =	vpop (erf)  }
.LBB2_7:
0x143: {  	s11 =	sshra.s32 s18, $0x2;
	p1 =	sne.s32 s18, $0x7F00;
	s18 =	sadd.s32 $0x100, s18;
	v12 =	vmul.f32 $1.442695020e+00, v12;
	v9 =	vsub.f32 $0.0e+00, v9;
	v15 =	vpop (erf);
	v8 =	vmax.f32 v6, v8  }
0x144: {  	v3 =	vsub.f32 v3, v10;
	v16 =	vld [tilespmem:s11+$0xC210];
	(erf) = vpow2.f32 v13;
	v13 =	vadd.f32 $1.000000000e+00, v15;
	v15 =	vpop (erf);
	[tilespmem:s30+$0x4200] =	vst v14  }
0x145: {  	v9 =	vmul.f32 $1.442695020e+00, v9;
	(erf) = vrcp.f32 v11;
	v14 =	vld [tilespmem:s25+$0x4200];
	v10 =	vpop (erf);
	v7 =	vmax.f32 v4, v7  }
0x146: {  	v8 =	vmin.f32 v8, v0;
	v18 =	vadd.f32 $1.000000000e+00, v15;
	v11 =	vld [tilespmem:s11+$0xC230];
	(erf) = vpow2.f32 v12;
	v15 =	vpop (erf);
	[tilespmem:s30+$0x4220] =	vst v3  }
0x147: {  	v0 =	vmovc v5;
	v6 =	vsub.f32 v6, v8;
	(erf) = vpow2.f32 v9;
	v17 =	vsub.f32 $0.0e+00, v15;
	v3 =	vld [tilespmem:s25+$0x4220]  }
0x148: {  	v7 =	vmin.f32 v7, v1;
	v5 =	vld [tilespmem:s11+$0xC200];
	(erf) = vrcp.f32 v18;
	v12 =	vpop (erf);
	v18 =	vsub.f32 $0.0e+00, v10  }
0x149: {  	v8 =	vsub.f32 $0.0e+00, v0;
	v4 =	vsub.f32 v4, v7;
	v9 =	vld [tilespmem:s11+$0xC220];
	(erf) = vrcp.f32 v13;
	v1 =	vpop (erf);
	[tilespmem:s30+$0x4210] =	vst v6  }
.Ltmp4:
0x14a: {  	v12 =	vadd.f32 $1.000000000e+00, v12;
	v13 =	vmax.f32 v14, v17;
	v6 =	vld [tilespmem:s25+$0x4210];
	v7 =	vsub.f32 $0.0e+00, v1;
	(pc) =	sbr.rel @p1 .LBB2_7-.Ltmp4, $4  }
0x14b: {  	v11 =	vsub.f32 $0.0e+00, v11;
	(erf) = vpow2.f32 v2;
	v15 =	vmin.f32 v13, v15;
	[tilespmem:s30+$0x4230] =	vst v4;
	s30 =	smov.u32 s25;
	s25 =	smov.u32 s26;
	s26 =	smov.u32 s22  }
0x14c: {  	v13 =	vsub.f32 $0.0e+00, v16;
	s22 =	smov.u32 s11;
	(erf) = vrcp.f32 v12;
	v16 =	vmax.f32 v3, v18;
	v4 =	vld [tilespmem:s30+$0x4230]  }
0x14d: {  	v12 =	vsub.f32 $0.0e+00, v5;
	v2 =	vmul.f32 $1.442695020e+00, v11;
	v5 =	vpop (erf);
	v10 =	vmin.f32 v16, v10  }
0x14e: {  	v14 =	vsub.f32 v14, v15;
	v13 =	vmul.f32 $1.442695020e+00, v13;
	v11 =	vadd.f32 $1.000000000e+00, v5;
	v5 =	vpop (erf)  }
0x14f: {  	v9 =	vsub.f32 $0.0e+00, v9;
	v8 =	vmax.f32 v6, v8;
	v3 =	vsub.f32 v3, v10  }
0x150: {  	v12 =	vmul.f32 $1.442695020e+00, v12;
	v15 =	vpop (erf);
	(erf) = vpow2.f32 v13;
	[tilespmem:s30+$0x4200] =	vst v14  }
0x151: {  	v13 =	vadd.f32 $1.000000000e+00, v15;
	v15 =	vpop (erf);
	v9 =	vmul.f32 $1.442695020e+00, v9;
	(erf) = vrcp.f32 v11;
	v10 =	vld [tilespmem:s25+$0x4200]  }
0x152: {  	v0 =	vmin.f32 v8, v0;
	v11 =	vadd.f32 $1.000000000e+00, v15;
	(erf) = vpow2.f32 v12;
	v8 =	vpop (erf)  }
0x153: {  	v7 =	vmax.f32 v4, v7;
	[tilespmem:s30+$0x4220] =	vst v3;
	v0 =	vsub.f32 v6, v0;
	(erf) = vpow2.f32 v9;
	v3 =	vpop (erf)  }
0x154: {  	v6 =	vld [tilespmem:s25+$0x4220];
	v1 =	vmin.f32 v7, v1;
	(erf) = vrcp.f32 v11;
	v7 =	vsub.f32 $0.0e+00, v3  }
0x155: {  	[tilespmem:s30+$0x4210] =	vst v0;
	v0 =	vsub.f32 v4, v1;
	v9 =	vsub.f32 $0.0e+00, v8;
	v4 =	vpop (erf);
	(erf) = vrcp.f32 v13  }
0x156: {  	v1 =	vld [tilespmem:s25+$0x4210];
	v4 =	vadd.f32 $1.000000000e+00, v4;
	v7 =	vmax.f32 v10, v7  }
0x157: {  	[tilespmem:s30+$0x4230] =	vst v0;
	v3 =	vmin.f32 v7, v3  }
0x158: {  	v11 =	vpop (erf);
	v7 =	vld [tilespmem:s25+$0x4230];
	v3 =	vsub.f32 v10, v3  }
0x159: {  	v0 =	vsub.f32 $0.0e+00, v5;
	(erf) = vpow2.f32 v2;
	v2 =	vmax.f32 v6, v9;
	v9 =	vpop (erf)  }
0x15a: {  	(erf) = vrcp.f32 v4;
	v4 =	vpop (erf)  }
0x15b: {  	v2 =	vmin.f32 v2, v8;
	v8 =	vsub.f32 $0.0e+00, v11;
	v0 =	vmax.f32 v1, v0;
	[tilespmem:s25+$0x4200] =	vst v3;
	v10 =	vpop (erf)  }
0x15c: {  	v2 =	vsub.f32 v6, v2;
	v0 =	vmin.f32 v0, v5;
	v6 =	vld [tilespmem:s26+$0x4200];
	v3 =	vpop (erf)  }
0x15d: {  	v0 =	vsub.f32 v1, v0;
	v8 =	vmax.f32 v7, v8;
	v5 =	vpop (erf)  }
0x15e: {  	[tilespmem:s25+$0x4220] =	vst v2;
	v1 =	vadd.f32 $1.000000000e+00, v9;
	v2 =	vadd.f32 $1.000000000e+00, v3;
	v8 =	vmin.f32 v8, v11;
	v3 =	vpop (erf)  }
0x15f: {  	v9 =	vld [tilespmem:s26+$0x4220];
	[tilespmem:s25+$0x4210] =	vst v0;
	v0 =	vsub.f32 v7, v8;
	v11 =	vsub.f32 $0.0e+00, v3;
	_ =	sdelay $0x1  }
0x160: {  	(erf) = vrcp.f32 v1;
	v7 =	vadd.f32 $1.000000000e+00, v10;
	v1 =	vld [tilespmem:s26+$0x4210];
	[tilespmem:s25+$0x4230] =	vst v0;
	v8 =	vmax.f32 v6, v11  }
0x161: {  	(erf) = vrcp.f32 v2;
	v2 =	vsub.f32 $0.0e+00, v5;
	v3 =	vmin.f32 v8, v3;
	v8 =	vld [tilespmem:s26+$0x4230]  }
0x162: {  	(erf) = vrcp.f32 v7;
	v0 =	vpop (erf)  }
0x163: {  	v7 =	vsub.f32 $0.0e+00, v4;
	v2 =	vmax.f32 v9, v2;
	v10 =	vpop (erf);
	v0 =	vadd.f32 $1.000000000e+00, v0  }
0x164: {  	v2 =	vmin.f32 v2, v5;
	v3 =	vsub.f32 v6, v3;
	v6 =	vsub.f32 $0.0e+00, v10  }
0x165: {  	v2 =	vsub.f32 v9, v2;
	(erf) = vrcp.f32 v0;
	v0 =	vmax.f32 v1, v7  }
0x166: {  	[tilespmem:s26+$0x4200] =	vst v3;
	v0 =	vmin.f32 v0, v4;
	v4 =	vmax.f32 v8, v6  }
0x167: {  	v3 =	vld [tilespmem:s22+$0x4200];
	[tilespmem:s26+$0x4220] =	vst v2;
	v0 =	vsub.f32 v1, v0;
	v2 =	vmin.f32 v4, v10;
	_ =	sdelay $0x1  }
0x168: {  	v1 =	vld [tilespmem:s22+$0x4220];
	[tilespmem:s26+$0x4210] =	vst v0;
	v0 =	vsub.f32 v8, v2;
	v4 =	vpop (erf)  }
0x169: {  	v2 =	vpop (erf)  }
0x16a: {  	v5 =	vld [tilespmem:s22+$0x4210];
	[tilespmem:s26+$0x4230] =	vst v0;
	v6 =	vpop (erf)  }
0x16b: {  	v7 =	vld [tilespmem:s22+$0x4230];
	v0 =	vsub.f32 $0.0e+00, v6  }
0x16c: {  	v8 =	vsub.f32 $0.0e+00, v2  }
0x16d: {  	v9 =	vsub.f32 $0.0e+00, v4;
	v10 =	vpop (erf);
	v0 =	vmax.f32 v3, v0  }
0x16e: {  	v11 =	vsub.f32 $0.0e+00, v10;
	v0 =	vmin.f32 v0, v6;
	v6 =	vmax.f32 v1, v8  }
0x16f: {  	v2 =	vmin.f32 v6, v2;
	v0 =	vsub.f32 v3, v0;
	v3 =	vmax.f32 v5, v9  }
0x170: {  	v1 =	vsub.f32 v1, v2;
	v2 =	vmax.f32 v7, v11;
	v3 =	vmin.f32 v3, v4  }
0x171: {  	s11 =	sadd.s32 s7, s15;
	[tilespmem:s22+$0x4200] =	vst v0;
	v0 =	vsub.f32 v5, v3;
	v2 =	vmin.f32 v2, v10  }
0x172: {  	s11 =	sshll.u32 s11, $0x3;
	[tilespmem:s22+$0x4220] =	vst v1;
	v1 =	vsub.f32 v7, v2  }
0x173: {  	s11 =	sand.u32 $0x1FFFF800, s11;
	[tilespmem:s22+$0x4210] =	vst v0  }
0x174: {  	s18 =	simm.s32 $0x4200;
	s11 =	sadd.s32 s2, s11;
	[tilespmem:s22+$0x4230] =	vst v1  }
0x175: {  	[hbm4b:s11+s3] =	stream.linear.scatter [tilespmem:s18], [sflag:$0x9], $0x2000, $0x38;
	[tilespmem:$0x10200] =	vst v63  }
0x176: {  	s11 =	sadd.s32 @!p0 s7, s16;
	_ =	swait.ge [sflag:s20], $0x2000  }
0x177: {  	s22 =	simm.s32 @!p0 $0x100;
	s11 =	sshrl.u32 @!p0 s11, $0x3;
	[sflag:s20] =	ssyncset.done $0x0  }
0x178: {  	s18 =	simm.s32 @!p0 $0x0;
	s11 =	sadd.s32 @!p0 s4, s11;
	[sflag:s20] =	ssyncadd.s32 $0xFFFFE000  }
0x179: {  	[tilespmem:s22], [sflag:$0x3] =	stream.linear.gather @!p0 [hbm4b:s11+s18], $0x80, $0x38;
	[tilespmem:$0x10200] =	vst v63  }
0x17a: {  	s11 =	simm.s32 @!p0 $0x3  }
0x17b: {  	_ =	swait.ge @!p0 [sflag:s11], $0x80  }
0x17c: {  	[sflag:s11] =	ssyncset.done @!p0 $0x0  }
0x17d: {  	s18 =	simm.s32 @!p0 $0x4200;
	[sflag:s11] =	ssyncadd.s32 @!p0 $0xFFFFFF80;
	s11 =	simm.s32 @!p0 $0x80  }
0x17e: {  	[tilespmem:s18], [sflag:$0x3] =	stream.indirect.gather @!p0 [hbm4b:s5+s11], $0x40, s22, s11, $0xb8;
	[tilespmem:$0x10200] =	vst v63  }
0x17f: {  	s18 =	simm.s32 @!p0 $0xC200  }
0x180: {  	[tilespmem:s18], [sflag:$0x7] =	stream.indirect.gather @!p0 [hbm4b:s6+s11], $0x40, s22, s11, $0xb8;
	[tilespmem:$0x10200] =	vst v63  }
0x181: {  	_ =	swait.ge [sflag:s0], $0x2000  }
0x182: {  	[sflag:s0] =	ssyncset.done $0x0  }
0x183: {  	[sflag:s0] =	ssyncadd.s32 $0xFFFFE000  }
0x184: {  	_ =	swait.ge [sflag:s19], $0x2000  }
0x185: {  	[sflag:s19] =	ssyncset.done $0x0  }
0x186: {  	s30 =	simm.s32 $0x0;
	[sflag:s19] =	ssyncadd.s32 $0xFFFFE000  }
0x187: {  	v0 =	vld [tilespmem:s30+$0xE210]  }
0x188: {  	v1 =	vld [tilespmem:s30+$0xE200]  }
0x189: {  	v2 =	vld [tilespmem:s30+$0xE220];
	_ =	sdelay $0x1  }
0x18a: {  	v3 =	vld [tilespmem:s30+$0xE230]  }
0x18b: {  	v0 =	vsub.f32 $0.0e+00, v0  }
0x18c: {  	v1 =	vsub.f32 $0.0e+00, v1  }
0x18d: {  	v2 =	vsub.f32 $0.0e+00, v2;
	v0 =	vmul.f32 $1.442695020e+00, v0  }
0x18e: {  	s25 =	simm.s32 $0x40;
	v1 =	vmul.f32 $1.442695020e+00, v1  }
0x18f: {  	(erf) = vpow2.f32 v0;
	v0 =	vmul.f32 $1.442695020e+00, v2;
	v2 =	vsub.f32 $0.0e+00, v3;
	v3 =	vld [tilespmem:s25+$0xE210]  }
0x190: {  	(erf) = vpow2.f32 v1  }
0x191: {  	(erf) = vpow2.f32 v0  }
0x192: {  	v0 =	vmul.f32 $1.442695020e+00, v2;
	_ =	sdelay $0x1  }
0x193: {  	v1 =	vld [tilespmem:s25+$0xE200];
	(erf) = vpow2.f32 v0;
	v0 =	vsub.f32 $0.0e+00, v3  }
0x194: {  	v2 =	vld [tilespmem:s25+$0xE220]  }
0x195: {  	v0 =	vmul.f32 $1.442695020e+00, v0;
	_ =	sdelay $0x1  }
0x196: {  	v4 =	vpop (erf)  }
0x197: {  	v3 =	vld [tilespmem:s25+$0xE230];
	v1 =	vsub.f32 $0.0e+00, v1;
	v5 =	vpop (erf)  }
0x198: {  	v2 =	vsub.f32 $0.0e+00, v2;
	(erf) = vpow2.f32 v0;
	v4 =	vadd.f32 $1.000000000e+00, v4;
	v0 =	vpop (erf)  }
0x199: {  	v1 =	vmul.f32 $1.442695020e+00, v1;
	v0 =	vadd.f32 $1.000000000e+00, v0  }
0x19a: {  	s26 =	simm.s32 $0x80;
	v2 =	vmul.f32 $1.442695020e+00, v2;
	(erf) = vrcp.f32 v4  }
0x19b: {  	v4 =	vld [tilespmem:s26+$0xE210];
	(erf) = vpow2.f32 v1  }
0x19c: {  	v3 =	vsub.f32 $0.0e+00, v3;
	(erf) = vpow2.f32 v2  }
0x19d: {  	v1 =	vadd.f32 $1.000000000e+00, v5;
	(erf) = vrcp.f32 v0;
	v0 =	vpop (erf)  }
0x19e: {  	v2 =	vmul.f32 $1.442695020e+00, v3;
	v3 =	vld [tilespmem:s26+$0xE200];
	v0 =	vadd.f32 $1.000000000e+00, v0  }
0x19f: {  	v5 =	vld [tilespmem:s26+$0xE220];
	(erf) = vrcp.f32 v1  }
0x1a0: {  	(erf) = vpow2.f32 v2;
	v1 =	vsub.f32 $0.0e+00, v4;
	_ =	sdelay $0x1  }
0x1a1: {  	v2 =	vld [tilespmem:s26+$0xE230];
	(erf) = vrcp.f32 v0;
	v1 =	vmul.f32 $1.442695020e+00, v1;
	v0 =	vpop (erf)  }
0x1a2: {  	v3 =	vsub.f32 $0.0e+00, v3;
	v4 =	vadd.f32 $1.000000000e+00, v0  }
0x1a3: {  	s22 =	simm.s32 $0xC0;
	v5 =	vsub.f32 $0.0e+00, v5;
	v0 =	vpop (erf)  }
0x1a4: {  	v9 =	vld [tilespmem:s22+$0xE230];
	v3 =	vmul.f32 $1.442695020e+00, v3;
	v6 =	vpop (erf);
	(erf) = vpow2.f32 v1  }
0x1a5: {  	v14 =	vld [tilespmem:s30+$0x6200];
	v5 =	vmul.f32 $1.442695020e+00, v5;
	v1 =	vpop (erf);
	(erf) = vrcp.f32 v4  }
0x1a6: {  	v10 =	vld [tilespmem:s22+$0xE210];
	v2 =	vsub.f32 $0.0e+00, v2;
	(erf) = vpow2.f32 v3;
	v1 =	vadd.f32 $1.000000000e+00, v1;
	v4 =	vpop (erf)  }
0x1a7: {  	v6 =	vadd.f32 $1.000000000e+00, v6;
	v3 =	vld [tilespmem:s30+$0x6220];
	(erf) = vpow2.f32 v5;
	v11 =	vpop (erf)  }
0x1a8: {  	v12 =	vld [tilespmem:s22+$0xE200];
	v2 =	vmul.f32 $1.442695020e+00, v2;
	(erf) = vrcp.f32 v1;
	v5 =	vsub.f32 $0.0e+00, v11;
	v7 =	vpop (erf)  }
0x1a9: {  	v15 =	vsub.f32 $0.0e+00, v9;
	(erf) = vrcp.f32 v6;
	v6 =	vadd.f32 $1.000000000e+00, v7  }
0x1aa: {  	v9 =	vld [tilespmem:s22+$0xE220];
	v13 =	vsub.f32 $0.0e+00, v4;
	(erf) = vpow2.f32 v2;
	v5 =	vmax.f32 v14, v5  }
0x1ab: {  	v16 =	vmin.f32 v5, v11;
	v5 =	vsub.f32 $0.0e+00, v10;
	(erf) = vrcp.f32 v6;
	v6 =	vld [tilespmem:s30+$0x6210]  }
0x1ac: {  	v10 =	vmax.f32 v3, v13  }
0x1ad: {  	v12 =	vsub.f32 $0.0e+00, v12;
	v1 =	vpop (erf);
	v10 =	vmin.f32 v10, v4;
	v4 =	vld [tilespmem:s30+$0x6230]  }
0x1ae: {  	v8 =	vsub.f32 $0.0e+00, v0;
	v2 =	vmul.f32 $1.442695020e+00, v15;
	v7 =	vsub.f32 $0.0e+00, v1;
	v11 =	vpop (erf)  }
0x1af: {  	s18 =	simm.s32 $0x400;
	v14 =	vsub.f32 v14, v16;
	v13 =	vmul.f32 $1.442695020e+00, v5;
	v11 =	vadd.f32 $1.000000000e+00, v11;
	v5 =	vpop (erf)  }
.LBB2_9:
0x1b0: {  	s11 =	sshra.s32 s18, $0x2;
	p1 =	sne.s32 s18, $0x7F00;
	s18 =	sadd.s32 $0x100, s18;
	v12 =	vmul.f32 $1.442695020e+00, v12;
	v9 =	vsub.f32 $0.0e+00, v9;
	v15 =	vpop (erf);
	v8 =	vmax.f32 v6, v8  }
0x1b1: {  	v3 =	vsub.f32 v3, v10;
	v16 =	vld [tilespmem:s11+$0xE210];
	(erf) = vpow2.f32 v13;
	v13 =	vadd.f32 $1.000000000e+00, v15;
	v15 =	vpop (erf);
	[tilespmem:s30+$0x6200] =	vst v14  }
0x1b2: {  	v9 =	vmul.f32 $1.442695020e+00, v9;
	(erf) = vrcp.f32 v11;
	v14 =	vld [tilespmem:s25+$0x6200];
	v10 =	vpop (erf);
	v7 =	vmax.f32 v4, v7  }
0x1b3: {  	v8 =	vmin.f32 v8, v0;
	v18 =	vadd.f32 $1.000000000e+00, v15;
	v11 =	vld [tilespmem:s11+$0xE230];
	(erf) = vpow2.f32 v12;
	v15 =	vpop (erf);
	[tilespmem:s30+$0x6220] =	vst v3  }
0x1b4: {  	v0 =	vmovc v5;
	v6 =	vsub.f32 v6, v8;
	(erf) = vpow2.f32 v9;
	v17 =	vsub.f32 $0.0e+00, v15;
	v3 =	vld [tilespmem:s25+$0x6220]  }
0x1b5: {  	v7 =	vmin.f32 v7, v1;
	v5 =	vld [tilespmem:s11+$0xE200];
	(erf) = vrcp.f32 v18;
	v12 =	vpop (erf);
	v18 =	vsub.f32 $0.0e+00, v10  }
0x1b6: {  	v8 =	vsub.f32 $0.0e+00, v0;
	v4 =	vsub.f32 v4, v7;
	v9 =	vld [tilespmem:s11+$0xE220];
	(erf) = vrcp.f32 v13;
	v1 =	vpop (erf);
	[tilespmem:s30+$0x6210] =	vst v6  }
.Ltmp5:
0x1b7: {  	v12 =	vadd.f32 $1.000000000e+00, v12;
	v13 =	vmax.f32 v14, v17;
	v6 =	vld [tilespmem:s25+$0x6210];
	v7 =	vsub.f32 $0.0e+00, v1;
	(pc) =	sbr.rel @p1 .LBB2_9-.Ltmp5, $4  }
0x1b8: {  	v11 =	vsub.f32 $0.0e+00, v11;
	(erf) = vpow2.f32 v2;
	v15 =	vmin.f32 v13, v15;
	[tilespmem:s30+$0x6230] =	vst v4;
	s30 =	smov.u32 s25;
	s25 =	smov.u32 s26;
	s26 =	smov.u32 s22  }
0x1b9: {  	v13 =	vsub.f32 $0.0e+00, v16;
	s22 =	smov.u32 s11;
	(erf) = vrcp.f32 v12;
	v16 =	vmax.f32 v3, v18;
	v4 =	vld [tilespmem:s30+$0x6230]  }
0x1ba: {  	v12 =	vsub.f32 $0.0e+00, v5;
	v2 =	vmul.f32 $1.442695020e+00, v11;
	v5 =	vpop (erf);
	v10 =	vmin.f32 v16, v10  }
0x1bb: {  	v14 =	vsub.f32 v14, v15;
	v13 =	vmul.f32 $1.442695020e+00, v13;
	v11 =	vadd.f32 $1.000000000e+00, v5;
	v5 =	vpop (erf)  }
0x1bc: {  	v12 =	vmul.f32 $1.442695020e+00, v12;
	v9 =	vsub.f32 $0.0e+00, v9;
	v8 =	vmax.f32 v6, v8  }
0x1bd: {  	v15 =	vpop (erf);
	v3 =	vsub.f32 v3, v10;
	(erf) = vpow2.f32 v13;
	v0 =	vmin.f32 v8, v0  }
0x1be: {  	v58 =	vpop (erf);
	[tilespmem:s30+$0x6200] =	vst v14;
	v9 =	vmul.f32 $1.442695020e+00, v9;
	(erf) = vrcp.f32 v11;
	v7 =	vmax.f32 v4, v7  }
0x1bf: {  	v59 =	vld [tilespmem:s25+$0x6200];
	[tilespmem:s30+$0x6220] =	vst v3;
	v0 =	vsub.f32 v6, v0;
	(erf) = vpow2.f32 v12;
	v1 =	vmin.f32 v7, v1  }
0x1c0: {  	v60 =	vadd.f32 $1.000000000e+00, v58;
	v61 =	vpop (erf);
	v63 =	vld [tilespmem:s25+$0x6220];
	(erf) = vpow2.f32 v9;
	v14 =	vsub.f32 v4, v1  }
0x1c1: {  	v57 =	vadd.f32 $1.000000000e+00, v15;
	v62 =	vpop (erf);
	[tilespmem:s30+$0x6210] =	vst v0  }
0x1c2: {  	v12 =	vsub.f32 $0.0e+00, v62;
	(erf) = vrcp.f32 v60;
	v15 =	vld [tilespmem:s25+$0x6210];
	[tilespmem:s30+$0x6230] =	vst v14  }
0x1c3: {  	v18 =	vsub.f32 $0.0e+00, v5;
	v17 =	vsub.f32 $0.0e+00, v61;
	v16 =	vpop (erf);
	(erf) = vrcp.f32 v57;
	v20 =	vld [tilespmem:s25+$0x6230]  }
0x1c4: {  	v19 =	vpop (erf);
	v4 =	vadd.f32 $1.000000000e+00, v16;
	v7 =	vmax.f32 v59, v12;
	(erf) = vpow2.f32 v2  }
0x1c5: {  	v24 =	vsub.f32 $0.0e+00, v19;
	v3 =	vmin.f32 v7, v62;
	v21 =	vmax.f32 v63, v17  }
0x1c6: {  	(erf) = vrcp.f32 v4;
	v3 =	vsub.f32 v59, v3;
	v2 =	vmin.f32 v21, v61;
	v22 =	vpop (erf)  }
0x1c7: {  	v0 =	vmax.f32 v15, v18;
	v2 =	vsub.f32 v63, v2;
	v23 =	vpop (erf)  }
0x1c8: {  	[tilespmem:s25+$0x6200] =	vst v3;
	v0 =	vmin.f32 v0, v5;
	v25 =	vpop (erf);
	v8 =	vmax.f32 v20, v24  }
0x1c9: {  	v29 =	vadd.f32 $1.000000000e+00, v22;
	v27 =	vld [tilespmem:s26+$0x6200];
	[tilespmem:s25+$0x6220] =	vst v2;
	v0 =	vsub.f32 v15, v0;
	v26 =	vpop (erf);
	v8 =	vmin.f32 v8, v19  }
0x1ca: {  	v32 =	vld [tilespmem:s26+$0x6220];
	v30 =	vadd.f32 $1.000000000e+00, v26;
	v34 =	vsub.f32 v20, v8  }
0x1cb: {  	v35 =	vadd.f32 $1.000000000e+00, v25;
	v28 =	vpop (erf);
	[tilespmem:s25+$0x6210] =	vst v0;
	(erf) = vrcp.f32 v29  }
0x1cc: {  	v31 =	vpop (erf);
	v36 =	vld [tilespmem:s26+$0x6210];
	(erf) = vrcp.f32 v30;
	[tilespmem:s25+$0x6230] =	vst v34  }
0x1cd: {  	v37 =	vsub.f32 $0.0e+00, v28;
	v33 =	vsub.f32 $0.0e+00, v31;
	v39 =	vpop (erf);
	(erf) = vrcp.f32 v35;
	v41 =	vld [tilespmem:s26+$0x6230]  }
0x1ce: {  	v0 =	vadd.f32 $1.000000000e+00, v39  }
0x1cf: {  	v40 =	vsub.f32 $0.0e+00, v23;
	v42 =	vpop (erf);
	v38 =	vmax.f32 v27, v33;
	v2 =	vmax.f32 v32, v37  }
0x1d0: {  	v43 =	vsub.f32 $0.0e+00, v42;
	v3 =	vmin.f32 v38, v31;
	(erf) = vrcp.f32 v0  }
0x1d1: {  	v2 =	vmin.f32 v2, v28;
	v3 =	vsub.f32 v27, v3;
	v44 =	vmax.f32 v36, v40  }
0x1d2: {  	v2 =	vsub.f32 v32, v2;
	v0 =	vmin.f32 v44, v23;
	v45 =	vmax.f32 v41, v43  }
0x1d3: {  	[tilespmem:s26+$0x6200] =	vst v3;
	v0 =	vsub.f32 v36, v0;
	v47 =	vmin.f32 v45, v42  }
0x1d4: {  	v3 =	vld [tilespmem:s22+$0x6200];
	[tilespmem:s26+$0x6220] =	vst v2;
	v48 =	vpop (erf);
	v49 =	vsub.f32 v41, v47  }
0x1d5: {  	v46 =	vld [tilespmem:s22+$0x6220];
	[tilespmem:s26+$0x6210] =	vst v0;
	v50 =	vpop (erf)  }
0x1d6: {  	v51 =	vld [tilespmem:s22+$0x6210];
	v52 =	vpop (erf);
	[tilespmem:s26+$0x6230] =	vst v49  }
0x1d7: {  	v53 =	vsub.f32 $0.0e+00, v52;
	v54 =	vld [tilespmem:s22+$0x6230]  }
0x1d8: {  	v55 =	vsub.f32 $0.0e+00, v50  }
0x1d9: {  	v56 =	vsub.f32 $0.0e+00, v48;
	v57 =	vpop (erf);
	v0 =	vmax.f32 v3, v53  }
0x1da: {  	v58 =	vsub.f32 $0.0e+00, v57;
	v59 =	vmax.f32 v46, v55;
	v0 =	vmin.f32 v0, v52  }
0x1db: {  	v2 =	vmin.f32 v59, v50;
	v60 =	vmax.f32 v51, v56;
	v0 =	vsub.f32 v3, v0  }
0x1dc: {  	v1 =	vsub.f32 v46, v2;
	v3 =	vmin.f32 v60, v48;
	v61 =	vmax.f32 v54, v58  }
0x1dd: {  	s11 =	sadd.s32 s7, s17;
	v62 =	vsub.f32 v51, v3;
	[tilespmem:s22+$0x6200] =	vst v0;
	v2 =	vmin.f32 v61, v57  }
0x1de: {  	s11 =	sshll.u32 s11, $0x3;
	[tilespmem:s22+$0x6220] =	vst v1;
	v63 =	vsub.f32 v54, v2  }
0x1df: {  	s11 =	sand.u32 $0x1FFFFC00, s11;
	[tilespmem:s22+$0x6210] =	vst v62  }
.Ltmp6:
0x1e0: {  	s11 =	sadd.s32 s2, s11;
	[tilespmem:s22+$0x6230] =	vst v63;
	(pc) =	sbr.rel @p0 .LBB2_12-.Ltmp6, $4  }
0x1e1: {  	[hbm4b:s11+s3] =	stream.linear.scatter [tilespmem:s23], [sflag:$0x9], $0x2000, $0x38;
	[tilespmem:$0x10200] =	vst v63  }
0x1e2: {  	_ =	swait.ge [sflag:s20], $0x2000  }
0x1e3: {  	[sflag:s20] =	ssyncset.done $0x0  }
0x1e4: {  	[sflag:s20] =	ssyncadd.s32 $0xFFFFE000  }
0x1e5: {  	s11 =	rddreg [dreg:$0x8]  }
0x1e6: {  	s7 =	sadd.s32 s7, s11  }
0x1e7: {  	s7 =	sshrl.u32 s7, $0x3  }
0x1e8: {  	s7 =	sadd.s32 s4, s7  }
0x1e9: {  	[tilespmem:s1], [sflag:$0x4] =	stream.linear.gather [hbm4b:s7+s3], $0x80, $0x38;
	[tilespmem:$0x10200] =	vst v63  }
0x1ea: {  	_ =	swait.ge [sflag:s0], $0x80  }
.Ltmp7:
0x1eb: {  	[sflag:s0] =	ssyncset.done $0x0;
	(pc) =	sbr.rel .LBB2_2-.Ltmp7, $4  }
0x1ec: {  	[sflag:s0] =	ssyncadd.s32 $0xFFFFFF80  }
0x1ed: {  	[tilespmem:s23], [sflag:$0x4] =	stream.indirect.gather [hbm4b:s5+s21], $0x40, s1, s21, $0xb8;
	[tilespmem:$0x10200] =	vst v63  }
0x1ee: {  	s30 =	simm.s32 $0xE200;
	s28 =	sadd.s32 $0x1, s28  }
0x1ef: {  	[tilespmem:s30], [sflag:$0x8] =	stream.indirect.gather [hbm4b:s6+s21], $0x40, s1, s21, $0xb8;
	[tilespmem:$0x10200] =	vst v63  }
.LBB2_13:
0x1f0: {  	_ =	sfence.sel $0x180000  }
0x1f1: {  	[bflag:$0x0] =	sbarrier.arrive $0xFFFF  }
0x1f2: {  	_ =	strace $0x90000047  }
0x1f3: {  	s0 =	stileid.u32;
	[bflag:$0x2] =	sbarrier.arrive $0xFFFF  }
0x1f4: {  	p0 =	sne.s32 s0, $0x0;
	s0 =	rddreg [dreg:$0x2]  }
0x1f5: {  	s0 =	sadd.s32 @!p0 $0x100000, s0  }
0x1f6: {  	[sflag:s0] =	ssyncadd.tile.s32 @!p0 $0x1;
	_ =	shalt  }
.Lfunc_end2:
_tile_overlayer_lowered:
.L_overlay_start_2:
0x1f7: {  	(tag) =	ssettag $0x2  }
0x1f8: {  	s0 =	rddreg [dreg:$0x0];
	s2 =	stileid.u32  }
0x1f9: {  	s1 =	rddreg [dreg:$0x1];
	p0 =	sne.s32 s2, $0x0  }
0x1fa: {  	s3 =	rddreg [dreg:$0x2];
	[bflag:$0x3] =	sbarrier.arrive $0xFFFF;
	s2 =	simm.s32 @!p0 $0x1C09  }
0x1fb: {  	[timem:s3], [sflag:s2] =	dma.local @!p0 [hbm:s0], s1  }
0x1fc: {  	s0 =	simm.s32 @!p0 $0x9  }
0x1fd: {  	_ =	swait.ge @!p0 [sflag:s0], s1  }
0x1fe: {  	s1 =	ssub.s32 @!p0 $0x0, s1;
	[sflag:s0] =	ssyncset.done @!p0 $0x0  }
0x1ff: {  	[sflag:s0] =	ssyncadd.s32 @!p0 s1  }
0x200: {  	[bflag:$0x3] =	sbarrier.arrive $0xFFFF  }
0x201: {  	_ =	shalt  }

// kernel: sparse-core-data-format-call.cloned.1.call-start
scs
called_computation_lowered:
.L_overlay_start_0:
0x0: {  	s2 =	sld [smem:$0x3FD9]  }
0x1: {  	s3 =	sld [smem:$0x3FFE];
	_ =	sdelay $0x1  }
0x2: {  	s1 =	srdreg.scid  }
0x3: {  	s0 =	sand.u32 $0x1, s1  }
0x4: {  	s18 =	sshll.u32 s0, $0xA;
	s2 =	sadd.s32 s3, s2  }
0x5: {  	s2 =	sadd.s32 s2, s18  }
0x6: {  	[smem:$0x3FC5] =	sst s2  }
0x7: {  	_ = 	snop  }
0x8: {  	s2 =	sld [smem:$0x3FD0];
	(tm) =	ssettm $0x1  }
0x9: {  	s19 =	sld [smem:$0x3FFB];
	_ =	sdelay $0x3  }
0xa: {  	_ =	strace s19  }
0xb: {  	s3 =	sld [smem:$0x3FFC];
	_ =	sdelay $0x3  }
0xc: {  	_ =	strace s3  }
0xd: {  	s3 =	sld [smem:$0x3FFD];
	_ =	sdelay $0x3  }
0xe: {  	_ =	strace s3  }
0xf: {  	_ =	strace $0x8FFFFFFF  }
0x10: {  	s20 =	sld [smem:$0x3FDB];
	_ =	sdelay $0x1  }
0x11: {  	s4 =	simm.s32 $_scs_section_size  }
0x12: {  	s5 =	simm.s32 $_size__tile_overlayer_lowered;
	s6 =	simm.s32 $_tile_overlayer_lowered  }
0x13: {  	s23 =	simm.s32 $0x1BFF;
	s22 =	sshll.u32 s6, $0x1;
	s3 =	sadd.s32 s4, s20  }
0x14: {  	s7 =	simm.s32 $0x0;
	s21 =	sshll.u32 s5, $0x1;
	s5 =	sadd.s32 s22, s3  }
0x15: {  	[timem:s7], [sflag:s23] =	dma.local [hbm:s5], s21  }
0x16: {  	_ =	swait.ge [sflag:s23], s21  }
0x17: {  	s4 =	ssub.s32 $0x0, s21;
	[sflag:s23] =	ssyncset.done $0x0  }
0x18: {  	[sflag:s23] =	ssyncadd.s32 s4;
	_ =	sdelay $0x1  }
0x19: {  	s24 =	simm.s32 $0x1B8B  }
0x1a: {  	_ =	swait.ge [sflag:s24], $0x1  }
0x1b: {  	[sflag:s24] =	ssyncset.done $0x0  }
0x1c: {  	s26 =	simm.s32 $0x1B8E;
	s25 =	sld [smem:$0x3FFE];
	[sflag:s24] =	ssyncadd.s32 $0xFFFFFFFF  }
0x1d: {  	s27 =	simm.s32 $execute0_lowered;
	[smem:$0x3FD2] =	sst s26  }
0x1e: {  	s5 =	sshll.u32 s27, $0x1;
	_ =	strace $0x80000049;
	[dreg:$0x1] =	wrdreg $0xFFFFFFFF  }
0x1f: {  	s28 =	simm.s32 $_size_execute0_lowered;
	s3 =	sadd.s32 s3, s5;
	[dreg:$0x0] =	wrdreg $0x0  }
0x20: {  	s5 =	sshll.u32 s28, $0x1;
	[dreg:$0x2] =	wrdreg s3  }
0x21: {  	[dreg:$0x3] =	wrdreg s5  }
0x22: {  	[dreg:$0x4] =	wrdreg $0xC0  }
0x23: {  	_ =	task [dreg:s7], $0x5FFFF  }
0x24: {  	[dreg:$0x1] =	wrdreg $0xFFFFFFFF  }
0x25: {  	[dreg:$0x0] =	wrdreg $0x60  }
0x26: {  	[dreg:$0x2] =	wrdreg s25  }
0x27: {  	[dreg:$0x3] =	wrdreg s2  }
0x28: {  	[dreg:$0x4] =	wrdreg $0x9  }
0x29: {  	_ =	task.clear_ibuf [dreg:s7], $0x5FFFF;
	_ =	strace $0x90000049  }
0x2a: {  	s29 =	simm.s32 $0x9;
	_ =	strace $0x8000004B  }
0x2b: {  	_ =	swait.ge [sflag:s29], $0x1  }
0x2c: {  	[sflag:s29] =	ssyncadd.s32 $0xFFFFFFFF  }
0x2d: {  	_ =	strace $0x9000004B  }
0x2e: {  	_ =	sfence  }
0x2f: {  	s30 =	sld [smem:$0x0];
	_ =	sdelay $0x2  }
0x30: {  	s31 =	sshll.u32 s1, $0xD;
	s1 =	sshrl.u32 s1, $0x2  }
0x31: {  	s3 =	sand.u32 $0x4000, s31;
	s1 =	sadd.s32 s1, s30  }
0x32: {  	s0 =	sor.u32 s3, s0;
	s1 =	sshll.u32 s1, $0x11  }
0x33: {  	s0 =	sor.u32 s1, s0  }
0x34: {  	s0 =	sadd.s32 $0x8F2B, s0  }
0x35: {  	[sflag:s0] =	ssyncadd.remote.s32 $0x1  }
0x36: {  	_ =	sfence.sel $0xFFFF  }
0x37: {  	[dreg:$0x0] =	wrdreg $0xFFFFFFFF;
	(pc) =	sbr.abs _section_cstart, $3  }
0x38: {  	[dreg:$0x1] =	wrdreg $0xFFFFFFFF  }
0x39: {  	_ =	task.clear_ibuf [dreg:s7], $0x2FFFF;
	_ =	strace $0x9FFFFFFF  }
0x3a: {  	(tm) =	ssettm $0x7FFFFFFF  }
0x3b: {  	_ =	shalt  }
tec
execute0_lowered:
.L_overlay_start_1:
0x0: {  	(tag) =	ssettag $0x1  }
0x1: {  	s0 =	srdreg.scid  }
0x2: {  	s1 =	sshll.u32 s0, $0x4  }
0x3: {  	s0 =	stileid.u32;
	s1 =	sand.u32 $0x10, s1  }
0x4: {  	s7 =	rddreg [dreg:$0x0];
	s1 =	sor.u32 s0, s1  }
0x5: {  	s4 =	simm.s32 $0x1;
	s8 =	simm.s32 $0x2;
	s2 =	sshll.u32 s1, $0x7  }
0x6: {  	s13 =	simm.s32 $0x0;
	s9 =	simm.s32 $0x20000;
	s1 =	ssub.s32 $0x4000, s2  }
0x7: {  	s14 =	simm.s32 $0x0;
	s11 =	simm.s32 $0x0;
	s3 =	sand.u32 $0xF80, s1  }
0x8: {  	s12 =	simm.s32 $0x0;
	s5 =	sshrl.u32 s1, $0xC;
	p0 =	sne.s32 s3, $0x0  }
.Ltmp0:
0x9: {  	s1 =	rddreg [dreg:$0x2];
	s4 =	simm.s32 @!p0 $0x0;
	(pc) =	sbr.rel .LBB1_1-.Ltmp0, $4  }
0xa: {  	s6 =	sadd.s32 $0xA00, s7;
	s3 =	rddreg [dreg:$0x1];
	s5 =	sadd.s32 s4, s5  }
0xb: {  	_ =	strace $0x8000004A;
	s4 =	simm.s32 $0x1;
	s5 =	smul.u32 $0xA, s5  }
0xc: {  	s7 =	sadd.s32 $0x40A00, s7;
	s10 =	smov.u32 s2;
	[sflag:s4] =	ssyncpa.u1 $0x0  }
0xd: {  	p0 =	por $0x0, $0x0;
	[sflag:s8] =	ssyncpa.u1 $0x0;
	s8 =	sor.u32 $0x1, s5  }
.LBB1_7:
0xe: {  	s15 =	sadd.s32 $0x1000, s10  }
0xf: {  	s13 =	sadd.s32 $0x2, s11;
	s17 =	smov.u32 s11;
	p2 =	sgt.s32 s15, $0x3FFF  }
0x10: {  	s17 =	smov.u32 @p2 s13  }
0x11: {  	s15 =	smov.u32 @p2 s2;
	p2 =	sgt.s32 s17, $0x13  }
0x12: {  	s17 =	simm.s32 @p2 $0x0;
	p2 =	sne.s32 s12, s8  }
.Ltmp1:
0x13: {  	p1 =	slt.u32 s12, $0x2;
	(pc) =	sbr.rel @!p2 .LBB1_8-.Ltmp1, $4  }
0x14: {  	s16 =	simm.s32 @!p1 $0x2  }
0x15: {  	s14 =	smov.u32 s11;
	p0 =	por !p0, !p0;
	_ =	swait.ge @!p1 [sflag:s16], $0x4000  }
0x16: {  	s13 =	smov.u32 s10;
	[sflag:s16] =	ssyncset.done @!p1 $0x0;
	s10 =	smov.u32 s15  }
0x17: {  	s12 =	sadd.s32 $0x1, s12;
	[sflag:s16] =	ssyncadd.s32 @!p1 $0xFFFFC000;
	s11 =	smov.u32 s17  }
.LBB1_1:
0x18: {  	p1 =	sge.u32 s12, s5  }
0x19: {  	s15 =	sxor.u32 @!p1 $0xFFFFFFFF, s12;
	s16 =	sshll.u32 @!p1 s11, $0x12  }
0x1a: {  	s17 =	sshll.u32 @!p1 s10, $0x4;
	s19 =	simm.s32 @!p1 $0x40;
	s20 =	simm.s32 @!p1 $0x80  }
0x1b: {  	s15 =	sshll.u32 @!p1 s15, $0xE;
	s17 =	sand.u32 @!p1 $0x3FFF0, s17;
	s18 =	sadd.s32 @!p1 s6, s16  }
0x1c: {  	s16 =	sadd.s32 @!p1 s16, s7;
	s15 =	sand.u32 @!p1 $0x4000, s15;
	s18 =	sadd.s32 @!p1 s17, s18  }
0x1d: {  	[tilespmem:s15], [sflag:$0x1] =	stream.strided.gather @!p1 [hbm4b:s18+s19], $0x2000, s20, s19, $0x38;
	[tilespmem:$0x10100] =	vst v63  }
0x1e: {  	s31 =	sadd.s32 $0xFFFFFFFF, s12;
	s16 =	sadd.s32 @!p1 s17, s16;
	s15 =	sor.u32 @!p1 $0x2000, s15  }
0x1f: {  	[tilespmem:s15], [sflag:$0x1] =	stream.strided.gather @!p1 [hbm4b:s16+s19], $0x2000, s20, s19, $0x38;
	[tilespmem:$0x10100] =	vst v63  }
0x20: {  	p1 =	sge.u32 s31, s5  }
.Ltmp2:
0x21: {  	_ = 	snop;
	(pc) =	sbr.rel @p1 .LBB1_7-.Ltmp2, $1  }
0x22: {  	_ =	sdelay $0x3  }
0x23: {  	s15 =	simm.s32 $0x1;
	s17 =	sand.u32 $0x1, s12  }
0x24: {  	_ =	swait.ge [sflag:s4], $0x4000;
	s15 =	simm.s32 @!p0 $0x0;
	s17 =	smul.u32 $0x10200, s17  }
0x25: {  	p2 =	por $0x1, $0x1;
	[sflag:s4] =	ssyncset.done $0x0;
	s16 =	smul.u32 $0x10200, s15  }
0x26: {  	s18 =	sshll.u32 s15, $0x10;
	[sflag:s4] =	ssyncadd.s32 $0xFFFFC000;
	s30 =	sshrl.u32 s17, $0x2  }
0x27: {  	s31 =	sshrl.u32 s18, $0x2;
	s18 =	simm.s32 $0x0;
	s16 =	sshrl.u32 s16, $0x2  }
0x28: {  	s15 =	sor.u32 $0x8000, s30;
	s17 =	sadd.s32 $0x20, s31;
	s16 =	sor.u32 $0x8000, s16  }
.LBB1_3:
0x29: {  	s19 =	sshll.u32 s18, $0xD  }
0x2a: {  	s19 =	sand.u32 $0x3FFFE000, s19  }
0x2b: {  	s21 =	sadd.s32 s19, s17  }
0x2c: {  	s31 =	smul.u32 $0x8100, s18;
	v3 =	vld [tilespmem:s21+$0x10]  }
0x2d: {  	v1 =	vld [tilespmem:s21+$0xFFFFFFF0]  }
0x2e: {  	s18 =	sshra.s32 s31, $0x2;
	v0 =	vld [tilespmem:s21+$0x0]  }
0x2f: {  	s18 =	sadd.s32 s18, s16;
	v2 =	vld [tilespmem:s21+$0xFFFFFFE0]  }
0x30: {  	s19 =	sadd.s32 $0x0, s18  }
0x31: {  	p1 =	por p2, p2;
	s20 =	simm.s32 $0x4;
	s21 =	sadd.s32 $0x40, s21;
	[tilespmem:s19+$0x1830 ss:$0x81] =	vst.msk $0xffff, v3  }
.LBB1_4:
0x32: {  	v3 =	vld [tilespmem:s21+$0x10];
	p2 =	sne.s32 s20, $0x1FC;
	[tilespmem:s19+$0x810 ss:$0x81] =	vst.msk $0xffff, v1;
	s22 =	smov.u32 s20;
	s20 =	sadd.s32 $0x4, s20  }
.Ltmp3:
0x33: {  	v1 =	vld [tilespmem:s21+$0xFFFFFFF0];
	[tilespmem:s19+$0x1020 ss:$0x81] =	vst.msk $0xffff, v0;
	(pc) =	sbr.rel @p2 .LBB1_4-.Ltmp3, $4  }
0x34: {  	v0 =	vld [tilespmem:s21+$0x0];
	[tilespmem:s19+$0x0 ss:$0x81] =	vst.msk $0xffff, v2  }
0x35: {  	s19 =	sshra.s32 s22, $0x2;
	v2 =	vld [tilespmem:s21+$0xFFFFFFE0]  }
0x36: {  	s19 =	sadd.s32 s19, s18  }
0x37: {  	s21 =	sadd.s32 $0x40, s21;
	[tilespmem:s19+$0x1830 ss:$0x81] =	vst.msk $0xffff, v3  }
.Ltmp4:
0x38: {  	(pc) =	sbr.rel @p1 .LBB1_3-.Ltmp4, $4  }
0x39: {  	_ = 	snop  }
0x3a: {  	[tilespmem:s19+$0x810 ss:$0x81] =	vst.msk $0xffff, v1  }
0x3b: {  	[tilespmem:s19+$0x1020 ss:$0x81] =	vst.msk $0xffff, v0  }
0x3c: {  	s18 =	simm.s32 $0x1;
	p2 =	por $0x0, $0x0;
	[tilespmem:s19+$0x0 ss:$0x81] =	vst.msk $0xffff, v2  }
0x3d: {  	s16 =	sshll.u32 s13, $0x3;
	s17 =	sand.u32 $0x78, s13;
	s14 =	sshll.u32 s14, $0x11  }
.Ltmp5:
0x3e: {  	s30 =	sand.u32 $0x1F800, s13;
	s16 =	sand.u32 $0x3C00, s16;
	(pc) =	sbr.rel .LBB1_7-.Ltmp5, $4  }
0x3f: {  	s31 =	sand.u32 $0x7, s13;
	s14 =	sadd.s32 s3, s14;
	s16 =	sor.u32 s17, s16  }
0x40: {  	s13 =	sshll.u32 s31, $0x12;
	s14 =	sadd.s32 s30, s14;
	s16 =	sshrl.u32 s16, $0x3  }
0x41: {  	s13 =	sor.u32 $0x400, s13;
	s14 =	sadd.s32 s16, s14  }
0x42: {  	[hbm4b:s14+s13] =	stream.strided.scatter [tilespmem:s15], [sflag:$0x2], $0x4000, s9, s13, $0x20;
	[tilespmem:$0x10100] =	vst v63  }
.LBB1_8:
0x43: {  	_ =	sfence.sel $0x180000  }
0x44: {  	s2 =	simm.s32 $0x1;
	[bflag:$0x0] =	sbarrier.arrive $0xFFFF  }
0x45: {  	s31 =	simm.s32 $0x2;
	[sflag:s2] =	ssyncpa.u1 $0x1  }
0x46: {  	[sflag:s31] =	ssyncpa.u1 $0x1  }
0x47: {  	p0 =	sne.s32 s0, $0x0;
	_ =	strace $0x9000004A  }
0x48: {  	s0 =	sadd.s32 @!p0 $0x100000, s1;
	[bflag:$0x2] =	sbarrier.arrive $0xFFFF  }
0x49: {  	[sflag:s0] =	ssyncadd.tile.s32 @!p0 $0x1;
	_ =	shalt  }
.Lfunc_end1:
_tile_overlayer_lowered:
.L_overlay_start_2:
0x4a: {  	(tag) =	ssettag $0x2  }
0x4b: {  	s0 =	rddreg [dreg:$0x0];
	s2 =	stileid.u32  }
0x4c: {  	s1 =	rddreg [dreg:$0x1];
	p0 =	sne.s32 s2, $0x0  }
0x4d: {  	s3 =	rddreg [dreg:$0x2];
	[bflag:$0x3] =	sbarrier.arrive $0xFFFF;
	s2 =	simm.s32 @!p0 $0x1C01  }
0x4e: {  	[timem:s3], [sflag:s2] =	dma.local @!p0 [hbm:s0], s1  }
0x4f: {  	s0 =	simm.s32 @!p0 $0x1  }
0x50: {  	_ =	swait.ge @!p0 [sflag:s0], s1  }
0x51: {  	s1 =	ssub.s32 @!p0 $0x0, s1;
	[sflag:s0] =	ssyncset.done @!p0 $0x0  }
0x52: {  	[sflag:s0] =	ssyncadd.s32 @!p0 s1  }
0x53: {  	[bflag:$0x3] =	sbarrier.arrive $0xFFFF  }
0x54: {  	_ =	shalt  }

</sc_bundles>
